<compile_context>
chip_gen: v7x
topology: tpu7x:2x2x1
jax: 0.10.2.dev20260603
libtpu: 0.0.44.dev20260713+nightly
codegen_flags: <defaults>
</compile_context>

<pallas_src>
import functools

import jax
import jax.numpy as jnp
from jax import lax
from jax.experimental import pallas as pl
from jax.experimental.pallas import tpu as pltpu
from jax.experimental.pallas import tpu_sc as plsc

N = 10000
NP = 10240
E = 320000
BATCH = 128
NBATCH = 158
NPAIR = NBATCH // 2
EPT = NBATCH * BATCH
EP = EPT * 16
FP = 384
RB = 512
GRID = NP // RB


def _make_agg(hf, npass):
    mesh = plsc.VectorSubcoreMesh(core_axis_name="c", subcore_axis_name="s")

    @functools.partial(
        pl.kernel,
        out_type=jax.ShapeDtypeStruct((NP, 2 * npass, hf), jnp.float32),
        mesh=mesh,
        compiler_params=pltpu.CompilerParams(use_tc_tiling_on_sc=False),
        scratch_types=[
            pltpu.VMEM_SHARED((NP, hf), jnp.float32),
            pltpu.VMEM((NBATCH, BATCH), jnp.int32),
            pltpu.VMEM((NBATCH, BATCH), jnp.int32),
            pltpu.VMEM((BATCH, hf), jnp.float32),
            pltpu.VMEM((BATCH, hf), jnp.float32),
            pltpu.SemaphoreType.DMA,
            pltpu.SemaphoreType.DMA,
        ],
    )
    def agg(h, srck, dst, zeros, out, acc, gid, sid, rows0, rows1,
            sem0, sem1):
        c = lax.axis_index("c")
        s = lax.axis_index("s")
        pltpu.sync_copy(dst.at[s], sid)
        for q in range(npass):
            k = c * npass + q
            pltpu.sync_copy(zeros, acc.at[pl.ds(s * 640, 640)])
            pltpu.sync_copy(srck.at[k, s], gid)
            plsc.subcore_barrier()

            pltpu.async_copy(h.at[gid.at[0]], rows0, sem0)

            def pair(j, carry):
                b = 2 * j
                pltpu.async_copy(h.at[gid.at[b + 1]], rows1, sem1)
                pltpu.make_async_copy(h.at[gid.at[b]], rows0, sem0).wait()
                pltpu.sync_copy(rows0, acc.at[sid.at[b]], add=True)

                @pl.when(j < NPAIR - 1)
                def _():
                    pltpu.async_copy(h.at[gid.at[b + 2]], rows0, sem0)

                pltpu.make_async_copy(
                    h.at[gid.at[b + 1]], rows1, sem1).wait()
                pltpu.sync_copy(rows1, acc.at[sid.at[b + 1]], add=True)
                return carry

            lax.fori_loop(0, NPAIR, pair, 0, unroll=False)
            plsc.subcore_barrier()
            pltpu.sync_copy(acc.at[pl.ds(s * 640, 640)],
                            out.at[pl.ds(s * 640, 640), k])
            if q + 1 < npass:
                plsc.subcore_barrier()

    return agg


_agg_d = _make_agg(64, 1)
_agg_h = _make_agg(96, 2)


def _row_mask(o):
    rows = pl.program_id(0) * RB + lax.broadcasted_iota(
        jnp.int32, o.shape, 0)
    return jnp.where(rows < N, o, 0.0)


def _mlp_body(x_ref, a_ref, wa_ref, ba_ref, wb_ref, bb_ref, o_ref):
    h = x_ref[...] + a_ref[...]
    t = jnp.maximum(
        jnp.dot(h, wa_ref[...], preferred_element_type=jnp.float32)
        + ba_ref[...], 0.0)
    o = jnp.maximum(
        jnp.dot(t, wb_ref[...], preferred_element_type=jnp.float32)
        + bb_ref[...], 0.0)
    o_ref[...] = _row_mask(o)


def _mlp(x, agg, wa, ba, wb, bb):
    fin = x.shape[1]
    return pl.pallas_call(
        _mlp_body,
        grid=(GRID,),
        in_specs=[
            pl.BlockSpec((RB, fin), lambda i: (i, 0)),
            pl.BlockSpec((RB, fin), lambda i: (i, 0)),
            pl.BlockSpec((fin, FP), lambda i: (0, 0)),
            pl.BlockSpec((1, FP), lambda i: (0, 0)),
            pl.BlockSpec((FP, FP), lambda i: (0, 0)),
            pl.BlockSpec((1, FP), lambda i: (0, 0)),
        ],
        out_specs=pl.BlockSpec((RB, FP), lambda i: (i, 0)),
        out_shape=jax.ShapeDtypeStruct((NP, FP), jnp.float32),
    )(x, agg, wa, ba, wb, bb)


def _mlp_final_body(x_ref, a_ref, wa_ref, ba_ref, wb_ref, bb_ref,
                    wl_ref, bl_ref, o_ref, acc_ref):
    i = pl.program_id(0)
    h = x_ref[...] + a_ref[...]
    t = jnp.maximum(
        jnp.dot(h, wa_ref[...], preferred_element_type=jnp.float32)
        + ba_ref[...], 0.0)
    o = jnp.maximum(
        jnp.dot(t, wb_ref[...], preferred_element_type=jnp.float32)
        + bb_ref[...], 0.0)
    o = _row_mask(o)
    part = jnp.sum(o, axis=0, keepdims=True)

    @pl.when(i == 0)
    def _():
        acc_ref[...] = jnp.zeros_like(acc_ref)

    acc_ref[0:1, :] = acc_ref[0:1, :] + part

    @pl.when(i == GRID - 1)
    def _():
        pooled = acc_ref[0:1, :]
        logit = jnp.sum(pooled * wl_ref[...]) + bl_ref[0, 0]
        sig = 1.0 / (1.0 + jnp.exp(-logit))
        o_ref[...] = jnp.stack(
            [1.0 - sig, sig]).reshape(1, 2).astype(jnp.float32)


def _mlp_final(x, agg, wa, ba, wb, bb, wlt, bl2):
    return pl.pallas_call(
        _mlp_final_body,
        grid=(GRID,),
        in_specs=[
            pl.BlockSpec((RB, FP), lambda i: (i, 0)),
            pl.BlockSpec((RB, FP), lambda i: (i, 0)),
            pl.BlockSpec((FP, FP), lambda i: (0, 0)),
            pl.BlockSpec((1, FP), lambda i: (0, 0)),
            pl.BlockSpec((FP, FP), lambda i: (0, 0)),
            pl.BlockSpec((1, FP), lambda i: (0, 0)),
            pl.BlockSpec((1, FP), lambda i: (0, 0)),
            pl.BlockSpec((1, 1), lambda i: (0, 0)),
        ],
        out_specs=pl.BlockSpec((1, 2), lambda i: (0, 0)),
        out_shape=jax.ShapeDtypeStruct((1, 2), jnp.float32),
        scratch_shapes=[pltpu.VMEM((8, FP), jnp.float32)],
    )(x, agg, wa, ba, wb, bb, wlt, bl2)


def _pad_w(w):
    fi, fo = w.shape
    return jnp.pad(w, ((0, FP - fi), (0, FP - fo)))


def _pad_b(b):
    return jnp.pad(b, (0, FP - b.shape[0])).reshape(1, FP)


def _edge_ids(src, dst, nchunk):
    src_p = jnp.pad(src, (0, EP - E))
    dst_p = jnp.pad(dst, (0, EP - E), constant_values=N)
    srck = jnp.stack([nchunk * src_p + k for k in range(nchunk)])
    return (srck.reshape(nchunk, 16, NBATCH, BATCH),
            dst_p.reshape(16, NBATCH, BATCH))


def kernel(x, edge_index, W1a, b1a, W1b, b1b, W2a, b2a, W2b, b2b,
           W3a, b3a, W3b, b3b, Wl, bl):
    src = edge_index[0]
    dst = edge_index[1]
    src2, dst_r = _edge_ids(src, dst, 2)
    src4, _ = _edge_ids(src, dst, 4)

    zeros_d = jnp.zeros((640, 64), jnp.float32)
    zeros_h = jnp.zeros((640, 96), jnp.float32)

    x_p = jnp.pad(x, ((0, NP - N), (0, 0)))
    w1a = jnp.pad(W1a, ((0, 0), (0, FP - W1a.shape[1])))
    w1b, w2a, w2b, w3a, w3b = map(_pad_w, (W1b, W2a, W2b, W3a, W3b))
    bb1a, bb1b, bb2a, bb2b, bb3a, bb3b = map(
        _pad_b, (b1a, b1b, b2a, b2b, b3a, b3b))
    wlt = jnp.pad(Wl[:, 0], (0, FP - Wl.shape[0])).reshape(1, FP)
    bl2 = bl.reshape(1, 1)

    agg1 = _agg_d(x_p.reshape(2 * NP, 64), src2, dst_r, zeros_d)
    h1 = _mlp(x_p, agg1.reshape(NP, 128), w1a, bb1a, w1b, bb1b)

    agg2 = _agg_h(h1.reshape(4 * NP, 96), src4, dst_r, zeros_h)
    h2 = _mlp(h1, agg2.reshape(NP, FP), w2a, bb2a, w2b, bb2b)

    agg3 = _agg_h(h2.reshape(4 * NP, 96), src4, dst_r, zeros_h)
    return _mlp_final(h2, agg3.reshape(NP, FP), w3a, bb3a, w3b, bb3b,
                      wlt, bl2)

# --- scband reference (transcript-rebuilt; emitter-appended) ---
"""Pipeline reference for scband-gin-51075751084683 (READ-ONLY COPY).

The authoritative reference and input builder live on the scoring server;
editing this copy changes nothing except your own understanding.
"""

import jax, jax.numpy as jnp
import numpy as np

N = 10000
E = 320000
D = 128
H = 300
O = 1


def setup_inputs(seed: int = 0) -> dict:
    key = jax.random.key(seed)
    ks = jax.random.split(key, 20)
    x = jax.random.normal(ks[0], (N, D), dtype=jnp.float32)
    edge_index = jax.random.randint(ks[1], (2, E), 0, N, dtype=jnp.int32)

    def lin_init(k, fan_in, fan_out):
        k1, k2 = jax.random.split(k)
        bound = 1.0 / np.sqrt(fan_in)
        W = jax.random.uniform(k1, (fan_in, fan_out), minval=-bound, maxval=bound, dtype=jnp.float32)
        b = jax.random.uniform(k2, (fan_out,), minval=-bound, maxval=bound, dtype=jnp.float32)
        return W, b

    W1a, b1a = lin_init(ks[2], D, H)
    W1b, b1b = lin_init(ks[3], H, H)
    W2a, b2a = lin_init(ks[4], H, H)
    W2b, b2b = lin_init(ks[5], H, H)
    W3a, b3a = lin_init(ks[6], H, H)
    W3b, b3b = lin_init(ks[7], H, H)
    Wl, bl = lin_init(ks[8], H, O)
    return {
        "x": x, "edge_index": edge_index,
        "W1a": W1a, "b1a": b1a, "W1b": W1b, "b1b": b1b,
        "W2a": W2a, "b2a": b2a, "W2b": W2b, "b2b": b2b,
        "W3a": W3a, "b3a": b3a, "W3b": W3b, "b3b": b3b,
        "Wl": Wl, "bl": bl,
    }


def _gin_conv(x, src, dst, Wa, ba, Wb, bb):
    # GINConv with eps=0: mlp((1+eps)*x + sum_{j in N(i)} x_j)
    msg = x[src]
    agg = jnp.zeros_like(x).at[dst].add(msg)
    h = x + agg
    h = jnp.maximum(h @ Wa + ba, 0.0)
    h = h @ Wb + bb
    return h


def reference(x, edge_index, W1a, b1a, W1b, b1b, W2a, b2a, W2b, b2b, W3a, b3a, W3b, b3b, Wl, bl):
    src = edge_index[0]
    dst = edge_index[1]
    h = jnp.maximum(_gin_conv(x, src, dst, W1a, b1a, W1b, b1b), 0.0)
    h = jnp.maximum(_gin_conv(h, src, dst, W2a, b2a, W2b, b2b), 0.0)
    h = jnp.maximum(_gin_conv(h, src, dst, W3a, b3a, W3b, b3b), 0.0)
    # global_add_pool with batch = all zeros -> single graph sum
    pooled = jnp.sum(h, axis=0, keepdims=True)  # [1, H]
    logit = pooled @ Wl + bl  # [1, 1]
    sig = jax.nn.sigmoid(logit)
    return jnp.concatenate([1.0 - sig, sig], axis=1)  # [1, 2]

if __name__ == "__main__":
    import jax
    _d = setup_inputs()
    print(jax.jit(kernel)(*tuple(_d.values())))

</pallas_src>

<mosaic_0001>
#map = affine_map<(d0, d1) -> (0, 0)>
#map1 = affine_map<(d0, d1) -> (0, 0, 0, 0)>
#map2 = affine_map<(d0, d1) -> (0, 0, 0)>
module attributes {stable_mosaic.version = 14 : i64} {
  func.func @agg(%arg0: i32, %arg1: i32, %arg2: memref<40960x96xf32, #tpu.memory_space<hbm>>, %arg3: memref<4x16x158x128xi32, #tpu.memory_space<hbm>>, %arg4: memref<16x158x128xi32, #tpu.memory_space<hbm>>, %arg5: memref<640x96xf32, #tpu.memory_space<hbm>>, %arg6: memref<10240x4x96xf32, #tpu.memory_space<hbm>>, %arg7: memref<10240x96xf32, #tpu.memory_space<vmem_shared>>, %arg8: memref<158x128xi32, #tpu.memory_space<vmem>>, %arg9: memref<158x128xi32, #tpu.memory_space<vmem>>, %arg10: memref<128x96xf32, #tpu.memory_space<vmem>>, %arg11: memref<128x96xf32, #tpu.memory_space<vmem>>, %arg12: memref<!tpu.dma_semaphore, #tpu.memory_space<semaphore_mem>>, %arg13: memref<!tpu.dma_semaphore, #tpu.memory_space<semaphore_mem>>) attributes {dimension_semantics = [#tpu.dimension_semantics<core_parallel>, #tpu.dimension_semantics<subcore_parallel>], iteration_bounds = array<i64: 2, 16>, scalar_prefetch = 0 : i64, scratch_operands = 7 : i64, tpu.core_type = #tpu.core_type<sc_vector_subcore>, window_params = [{transform_indices = #map}, {transform_indices = #map1}, {transform_indices = #map2}, {transform_indices = #map}, {transform_indices = #map2}]} {
    "tpu.region"() ({
      %run_scoped3A = tpu.sem_alloc : memref<!tpu.dma_semaphore, #tpu.memory_space<semaphore_mem>>
      %dma_start3A_46 = arith.constant 0 : i32
      %dma_start3A_47 = arith.constant 0 : i32
      %dma_start3A_48 = tpu.memref_slice %arg4[%arg1, %dma_start3A_46, %dma_start3A_47] : memref<16x158x128xi32, #tpu.memory_space<hbm>> -> memref<1x158x128xi32, #tpu.memory_space<hbm>>
      %dma_start3A_49 = tpu.memref_squeeze %dma_start3A_48 : memref<1x158x128xi32, #tpu.memory_space<hbm>> -> memref<158x128xi32, #tpu.memory_space<hbm>>
      %dma_start3A_50 = arith.constant 0 : i32
      %dma_start3A_51 = arith.constant 0 : i32
      %dma_start3A_52 = tpu.memref_slice %arg4[%arg1, %dma_start3A_50, %dma_start3A_51] : memref<16x158x128xi32, #tpu.memory_space<hbm>> -> memref<1x158x128xi32, #tpu.memory_space<hbm>>
      %dma_start3A_53 = tpu.memref_squeeze %dma_start3A_52 : memref<1x158x128xi32, #tpu.memory_space<hbm>> -> memref<158x128xi32, #tpu.memory_space<hbm>>
      tpu.enqueue_dma source(%dma_start3A_53 : memref<158x128xi32, #tpu.memory_space<hbm>>) target(%arg9 : memref<158x128xi32, #tpu.memory_space<vmem>>) target_semaphore(%run_scoped3A : memref<!tpu.dma_semaphore, #tpu.memory_space<semaphore_mem>>)
      %dma_wait3A = arith.constant 0 : i32
      %dma_wait3A_54 = arith.constant 0 : i32
      %dma_wait3A_55 = tpu.memref_slice %arg4[%arg1, %dma_wait3A, %dma_wait3A_54] : memref<16x158x128xi32, #tpu.memory_space<hbm>> -> memref<1x158x128xi32, #tpu.memory_space<hbm>>
      %dma_wait3A_56 = tpu.memref_squeeze %dma_wait3A_55 : memref<1x158x128xi32, #tpu.memory_space<hbm>> -> memref<158x128xi32, #tpu.memory_space<hbm>>
      %dma_wait3A_57 = arith.constant 0 : i32
      %dma_wait3A_58 = arith.constant 0 : i32
      %dma_wait3A_59 = tpu.memref_slice %arg4[%arg1, %dma_wait3A_57, %dma_wait3A_58] : memref<16x158x128xi32, #tpu.memory_space<hbm>> -> memref<1x158x128xi32, #tpu.memory_space<hbm>>
      %dma_wait3A_60 = tpu.memref_squeeze %dma_wait3A_59 : memref<1x158x128xi32, #tpu.memory_space<hbm>> -> memref<158x128xi32, #tpu.memory_space<hbm>>
      tpu.wait_dma2 semaphore(%run_scoped3A : memref<!tpu.dma_semaphore, #tpu.memory_space<semaphore_mem>>) src(%dma_wait3A_60 : memref<158x128xi32, #tpu.memory_space<hbm>>) dst(%arg9 : memref<158x128xi32, #tpu.memory_space<vmem>>)
      tpu.yield
    }) : () -> ()
    %mul3A = arith.constant 2 : i32
    %mul3A_0 = arith.muli %arg0, %mul3A : i32
    %add3A = arith.constant 0 : i32
    %add3A_1 = arith.addi %mul3A_0, %add3A : i32
    %mul3A_2 = arith.constant 640 : i32
    %mul3A_3 = arith.muli %arg1, %mul3A_2 : i32
    "tpu.region"() ({
      %run_scoped3A = tpu.sem_alloc : memref<!tpu.dma_semaphore, #tpu.memory_space<semaphore_mem>>
      %dma_start3A_46 = arith.constant 0 : i32
      %dma_start3A_47 = tpu.memref_slice %arg7[%mul3A_3, %dma_start3A_46] : memref<10240x96xf32, #tpu.memory_space<vmem_shared>> -> memref<640x96xf32, #tpu.memory_space<vmem_shared>>
      tpu.enqueue_dma source(%arg5 : memref<640x96xf32, #tpu.memory_space<hbm>>) target(%dma_start3A_47 : memref<640x96xf32, #tpu.memory_space<vmem_shared>>) target_semaphore(%run_scoped3A : memref<!tpu.dma_semaphore, #tpu.memory_space<semaphore_mem>>)
      %dma_wait3A = arith.constant 0 : i32
      %dma_wait3A_48 = tpu.memref_slice %arg7[%mul3A_3, %dma_wait3A] : memref<10240x96xf32, #tpu.memory_space<vmem_shared>> -> memref<640x96xf32, #tpu.memory_space<vmem_shared>>
      tpu.wait_dma2 semaphore(%run_scoped3A : memref<!tpu.dma_semaphore, #tpu.memory_space<semaphore_mem>>) src(%arg5 : memref<640x96xf32, #tpu.memory_space<hbm>>) dst(%dma_wait3A_48 : memref<640x96xf32, #tpu.memory_space<vmem_shared>>)
      tpu.yield
    }) : () -> ()
    "tpu.region"() ({
      %run_scoped3A = tpu.sem_alloc : memref<!tpu.dma_semaphore, #tpu.memory_space<semaphore_mem>>
      %dma_start3A_46 = arith.constant 0 : i32
      %dma_start3A_47 = arith.constant 0 : i32
      %dma_start3A_48 = tpu.memref_slice %arg3[%add3A_1, %arg1, %dma_start3A_46, %dma_start3A_47] : memref<4x16x158x128xi32, #tpu.memory_space<hbm>> -> memref<1x1x158x128xi32, #tpu.memory_space<hbm>>
      %dma_start3A_49 = tpu.memref_squeeze %dma_start3A_48 : memref<1x1x158x128xi32, #tpu.memory_space<hbm>> -> memref<158x128xi32, #tpu.memory_space<hbm>>
      %dma_start3A_50 = arith.constant 0 : i32
      %dma_start3A_51 = arith.constant 0 : i32
      %dma_start3A_52 = tpu.memref_slice %arg3[%add3A_1, %arg1, %dma_start3A_50, %dma_start3A_51] : memref<4x16x158x128xi32, #tpu.memory_space<hbm>> -> memref<1x1x158x128xi32, #tpu.memory_space<hbm>>
      %dma_start3A_53 = tpu.memref_squeeze %dma_start3A_52 : memref<1x1x158x128xi32, #tpu.memory_space<hbm>> -> memref<158x128xi32, #tpu.memory_space<hbm>>
      tpu.enqueue_dma source(%dma_start3A_53 : memref<158x128xi32, #tpu.memory_space<hbm>>) target(%arg8 : memref<158x128xi32, #tpu.memory_space<vmem>>) target_semaphore(%run_scoped3A : memref<!tpu.dma_semaphore, #tpu.memory_space<semaphore_mem>>)
      %dma_wait3A = arith.constant 0 : i32
      %dma_wait3A_54 = arith.constant 0 : i32
      %dma_wait3A_55 = tpu.memref_slice %arg3[%add3A_1, %arg1, %dma_wait3A, %dma_wait3A_54] : memref<4x16x158x128xi32, #tpu.memory_space<hbm>> -> memref<1x1x158x128xi32, #tpu.memory_space<hbm>>
      %dma_wait3A_56 = tpu.memref_squeeze %dma_wait3A_55 : memref<1x1x158x128xi32, #tpu.memory_space<hbm>> -> memref<158x128xi32, #tpu.memory_space<hbm>>
      %dma_wait3A_57 = arith.constant 0 : i32
      %dma_wait3A_58 = arith.constant 0 : i32
      %dma_wait3A_59 = tpu.memref_slice %arg3[%add3A_1, %arg1, %dma_wait3A_57, %dma_wait3A_58] : memref<4x16x158x128xi32, #tpu.memory_space<hbm>> -> memref<1x1x158x128xi32, #tpu.memory_space<hbm>>
      %dma_wait3A_60 = tpu.memref_squeeze %dma_wait3A_59 : memref<1x1x158x128xi32, #tpu.memory_space<hbm>> -> memref<158x128xi32, #tpu.memory_space<hbm>>
      tpu.wait_dma2 semaphore(%run_scoped3A : memref<!tpu.dma_semaphore, #tpu.memory_space<semaphore_mem>>) src(%dma_wait3A_60 : memref<158x128xi32, #tpu.memory_space<hbm>>) dst(%arg8 : memref<158x128xi32, #tpu.memory_space<vmem>>)
      tpu.yield
    }) : () -> ()
    %barrier3A = arith.constant 0 : index
    tpu.barrier barrier_id(%barrier3A)
    %dma_start3A = arith.constant 0 : i32
    %dma_start3A_4 = arith.constant 0 : i32
    %dma_start3A_5 = tpu.memref_slice %arg8[%dma_start3A, %dma_start3A_4] : memref<158x128xi32, #tpu.memory_space<vmem>> -> memref<1x128xi32, #tpu.memory_space<vmem>>
    %dma_start3A_6 = tpu.memref_squeeze %dma_start3A_5 : memref<1x128xi32, #tpu.memory_space<vmem>> -> memref<128xi32, #tpu.memory_space<vmem>>
    %dma_start3A_7 = arith.constant 0 : i32
    %dma_start3A_8 = arith.constant 0 : i32
    %dma_start3A_9 = tpu.memref_slice %arg2[%dma_start3A_7, %dma_start3A_8] : memref<40960x96xf32, #tpu.memory_space<hbm>> -> memref<40960x96xf32, #tpu.memory_space<hbm>>
    tpu.enqueue_indirect_dma source(%dma_start3A_9 : memref<40960x96xf32, #tpu.memory_space<hbm>>) target(%arg10 : memref<128x96xf32, #tpu.memory_space<vmem>>) offsets(%dma_start3A_6 : memref<128xi32, #tpu.memory_space<vmem>>) semaphore(%arg12 : memref<!tpu.dma_semaphore, #tpu.memory_space<semaphore_mem>>)
    %scan3A = arith.constant 0 : i32
    %scan3A_10 = arith.constant 0 : i32
    %scan3A_11 = arith.constant 79 : i32
    %scan3A_12 = arith.addi %scan3A_10, %scan3A_11 : i32
    %scan3A_13 = arith.constant 1 : i32
    scf.for %scan3A_46 = %scan3A_10 to %scan3A_12 step %scan3A_13  : i32 {
      %mul3A_47 = arith.constant 2 : i32
      %mul3A_48 = arith.muli %mul3A_47, %scan3A_46 : i32
      %add3A_49 = arith.constant 1 : i32
      %add3A_50 = arith.addi %mul3A_48, %add3A_49 : i32
      %dma_start3A_51 = arith.constant 0 : i32
      %dma_start3A_52 = tpu.memref_slice %arg8[%add3A_50, %dma_start3A_51] : memref<158x128xi32, #tpu.memory_space<vmem>> -> memref<1x128xi32, #tpu.memory_space<vmem>>
      %dma_start3A_53 = tpu.memref_squeeze %dma_start3A_52 : memref<1x128xi32, #tpu.memory_space<vmem>> -> memref<128xi32, #tpu.memory_space<vmem>>
      %dma_start3A_54 = arith.constant 0 : i32
      %dma_start3A_55 = arith.constant 0 : i32
      %dma_start3A_56 = tpu.memref_slice %arg2[%dma_start3A_54, %dma_start3A_55] : memref<40960x96xf32, #tpu.memory_space<hbm>> -> memref<40960x96xf32, #tpu.memory_space<hbm>>
      tpu.enqueue_indirect_dma source(%dma_start3A_56 : memref<40960x96xf32, #tpu.memory_space<hbm>>) target(%arg11 : memref<128x96xf32, #tpu.memory_space<vmem>>) offsets(%dma_start3A_53 : memref<128xi32, #tpu.memory_space<vmem>>) semaphore(%arg13 : memref<!tpu.dma_semaphore, #tpu.memory_space<semaphore_mem>>)
      %dma_wait3A = arith.constant 0 : i32
      %dma_wait3A_57 = tpu.memref_slice %arg8[%mul3A_48, %dma_wait3A] : memref<158x128xi32, #tpu.memory_space<vmem>> -> memref<1x128xi32, #tpu.memory_space<vmem>>
      %dma_wait3A_58 = tpu.memref_squeeze %dma_wait3A_57 : memref<1x128xi32, #tpu.memory_space<vmem>> -> memref<128xi32, #tpu.memory_space<vmem>>
      %dma_wait3A_59 = arith.constant 0 : i32
      %dma_wait3A_60 = arith.constant 0 : i32
      %dma_wait3A_61 = tpu.memref_slice %arg2[%dma_wait3A_59, %dma_wait3A_60] : memref<40960x96xf32, #tpu.memory_space<hbm>> -> memref<40960x96xf32, #tpu.memory_space<hbm>>
      tpu.wait_indirect_dma semaphore(%arg12 : memref<!tpu.dma_semaphore, #tpu.memory_space<semaphore_mem>>) src(%dma_wait3A_61 : memref<40960x96xf32, #tpu.memory_space<hbm>>) dst(%arg10 : memref<128x96xf32, #tpu.memory_space<vmem>>)
      "tpu.region"() ({
        %run_scoped3A = tpu.sem_alloc : memref<!tpu.dma_semaphore, #tpu.memory_space<semaphore_mem>>
        %dma_start3A_74 = arith.constant 0 : i32
        %dma_start3A_75 = tpu.memref_slice %arg9[%mul3A_48, %dma_start3A_74] : memref<158x128xi32, #tpu.memory_space<vmem>> -> memref<1x128xi32, #tpu.memory_space<vmem>>
        %dma_start3A_76 = tpu.memref_squeeze %dma_start3A_75 : memref<1x128xi32, #tpu.memory_space<vmem>> -> memref<128xi32, #tpu.memory_space<vmem>>
        %dma_start3A_77 = arith.constant 0 : i32
        %dma_start3A_78 = arith.constant 0 : i32
        %dma_start3A_79 = tpu.memref_slice %arg7[%dma_start3A_77, %dma_start3A_78] : memref<10240x96xf32, #tpu.memory_space<vmem_shared>> -> memref<10240x96xf32, #tpu.memory_space<vmem_shared>>
        tpu.enqueue_indirect_dma source(%arg10 : memref<128x96xf32, #tpu.memory_space<vmem>>) target(%dma_start3A_79 : memref<10240x96xf32, #tpu.memory_space<vmem_shared>>) offsets(%dma_start3A_76 : memref<128xi32, #tpu.memory_space<vmem>>) semaphore(%run_scoped3A : memref<!tpu.dma_semaphore, #tpu.memory_space<semaphore_mem>>) {add = true}
        %dma_wait3A_80 = arith.constant 0 : i32
        %dma_wait3A_81 = tpu.memref_slice %arg9[%mul3A_48, %dma_wait3A_80] : memref<158x128xi32, #tpu.memory_space<vmem>> -> memref<1x128xi32, #tpu.memory_space<vmem>>
        %dma_wait3A_82 = tpu.memref_squeeze %dma_wait3A_81 : memref<1x128xi32, #tpu.memory_space<vmem>> -> memref<128xi32, #tpu.memory_space<vmem>>
        %dma_wait3A_83 = arith.constant 0 : i32
        %dma_wait3A_84 = arith.constant 0 : i32
        %dma_wait3A_85 = tpu.memref_slice %arg7[%dma_wait3A_83, %dma_wait3A_84] : memref<10240x96xf32, #tpu.memory_space<vmem_shared>> -> memref<10240x96xf32, #tpu.memory_space<vmem_shared>>
        tpu.wait_indirect_dma semaphore(%run_scoped3A : memref<!tpu.dma_semaphore, #tpu.memory_space<semaphore_mem>>) src(%arg10 : memref<128x96xf32, #tpu.memory_space<vmem>>) dst(%dma_wait3A_85 : memref<10240x96xf32, #tpu.memory_space<vmem_shared>>)
        tpu.yield
      }) : () -> ()
      %lt3A = arith.constant 78 : i32
      %lt3A_62 = arith.cmpi slt, %scan3A_46, %lt3A : i32
      %convert_element_type3A = arith.extui %lt3A_62 : i1 to i32
      %cond3A = arith.constant 0 : i32
      %cond3A_63 = arith.cmpi ne, %convert_element_type3A, %cond3A : i32
      scf.if %cond3A_63 {
        %add3A_74 = arith.constant 2 : i32
        %add3A_75 = arith.addi %mul3A_48, %add3A_74 : i32
        %dma_start3A_76 = arith.constant 0 : i32
        %dma_start3A_77 = tpu.memref_slice %arg8[%add3A_75, %dma_start3A_76] : memref<158x128xi32, #tpu.memory_space<vmem>> -> memref<1x128xi32, #tpu.memory_space<vmem>>
        %dma_start3A_78 = tpu.memref_squeeze %dma_start3A_77 : memref<1x128xi32, #tpu.memory_space<vmem>> -> memref<128xi32, #tpu.memory_space<vmem>>
        %dma_start3A_79 = arith.constant 0 : i32
        %dma_start3A_80 = arith.constant 0 : i32
        %dma_start3A_81 = tpu.memref_slice %arg2[%dma_start3A_79, %dma_start3A_80] : memref<40960x96xf32, #tpu.memory_space<hbm>> -> memref<40960x96xf32, #tpu.memory_space<hbm>>
        tpu.enqueue_indirect_dma source(%dma_start3A_81 : memref<40960x96xf32, #tpu.memory_space<hbm>>) target(%arg10 : memref<128x96xf32, #tpu.memory_space<vmem>>) offsets(%dma_start3A_78 : memref<128xi32, #tpu.memory_space<vmem>>) semaphore(%arg12 : memref<!tpu.dma_semaphore, #tpu.memory_space<semaphore_mem>>)
      } else {
      }
      %add3A_64 = arith.constant 1 : i32
      %add3A_65 = arith.addi %mul3A_48, %add3A_64 : i32
      %dma_wait3A_66 = arith.constant 0 : i32
      %dma_wait3A_67 = tpu.memref_slice %arg8[%add3A_65, %dma_wait3A_66] : memref<158x128xi32, #tpu.memory_space<vmem>> -> memref<1x128xi32, #tpu.memory_space<vmem>>
      %dma_wait3A_68 = tpu.memref_squeeze %dma_wait3A_67 : memref<1x128xi32, #tpu.memory_space<vmem>> -> memref<128xi32, #tpu.memory_space<vmem>>
      %dma_wait3A_69 = arith.constant 0 : i32
      %dma_wait3A_70 = arith.constant 0 : i32
      %dma_wait3A_71 = tpu.memref_slice %arg2[%dma_wait3A_69, %dma_wait3A_70] : memref<40960x96xf32, #tpu.memory_space<hbm>> -> memref<40960x96xf32, #tpu.memory_space<hbm>>
      tpu.wait_indirect_dma semaphore(%arg13 : memref<!tpu.dma_semaphore, #tpu.memory_space<semaphore_mem>>) src(%dma_wait3A_71 : memref<40960x96xf32, #tpu.memory_space<hbm>>) dst(%arg11 : memref<128x96xf32, #tpu.memory_space<vmem>>)
      %add3A_72 = arith.constant 1 : i32
      %add3A_73 = arith.addi %mul3A_48, %add3A_72 : i32
      "tpu.region"() ({
        %run_scoped3A = tpu.sem_alloc : memref<!tpu.dma_semaphore, #tpu.memory_space<semaphore_mem>>
        %dma_start3A_74 = arith.constant 0 : i32
        %dma_start3A_75 = tpu.memref_slice %arg9[%add3A_73, %dma_start3A_74] : memref<158x128xi32, #tpu.memory_space<vmem>> -> memref<1x128xi32, #tpu.memory_space<vmem>>
        %dma_start3A_76 = tpu.memref_squeeze %dma_start3A_75 : memref<1x128xi32, #tpu.memory_space<vmem>> -> memref<128xi32, #tpu.memory_space<vmem>>
        %dma_start3A_77 = arith.constant 0 : i32
        %dma_start3A_78 = arith.constant 0 : i32
        %dma_start3A_79 = tpu.memref_slice %arg7[%dma_start3A_77, %dma_start3A_78] : memref<10240x96xf32, #tpu.memory_space<vmem_shared>> -> memref<10240x96xf32, #tpu.memory_space<vmem_shared>>
        tpu.enqueue_indirect_dma source(%arg11 : memref<128x96xf32, #tpu.memory_space<vmem>>) target(%dma_start3A_79 : memref<10240x96xf32, #tpu.memory_space<vmem_shared>>) offsets(%dma_start3A_76 : memref<128xi32, #tpu.memory_space<vmem>>) semaphore(%run_scoped3A : memref<!tpu.dma_semaphore, #tpu.memory_space<semaphore_mem>>) {add = true}
        %dma_wait3A_80 = arith.constant 0 : i32
        %dma_wait3A_81 = tpu.memref_slice %arg9[%add3A_73, %dma_wait3A_80] : memref<158x128xi32, #tpu.memory_space<vmem>> -> memref<1x128xi32, #tpu.memory_space<vmem>>
        %dma_wait3A_82 = tpu.memref_squeeze %dma_wait3A_81 : memref<1x128xi32, #tpu.memory_space<vmem>> -> memref<128xi32, #tpu.memory_space<vmem>>
        %dma_wait3A_83 = arith.constant 0 : i32
        %dma_wait3A_84 = arith.constant 0 : i32
        %dma_wait3A_85 = tpu.memref_slice %arg7[%dma_wait3A_83, %dma_wait3A_84] : memref<10240x96xf32, #tpu.memory_space<vmem_shared>> -> memref<10240x96xf32, #tpu.memory_space<vmem_shared>>
        tpu.wait_indirect_dma semaphore(%run_scoped3A : memref<!tpu.dma_semaphore, #tpu.memory_space<semaphore_mem>>) src(%arg11 : memref<128x96xf32, #tpu.memory_space<vmem>>) dst(%dma_wait3A_85 : memref<10240x96xf32, #tpu.memory_space<vmem_shared>>)
        tpu.yield
      }) : () -> ()
    }
    %scan3A_14 = arith.constant 79 : i32
    %barrier3A_15 = arith.constant 0 : index
    tpu.barrier barrier_id(%barrier3A_15)
    %mul3A_16 = arith.constant 640 : i32
    %mul3A_17 = arith.muli %arg1, %mul3A_16 : i32
    %mul3A_18 = arith.constant 640 : i32
    %mul3A_19 = arith.muli %arg1, %mul3A_18 : i32
    "tpu.region"() ({
      %run_scoped3A = tpu.sem_alloc : memref<!tpu.dma_semaphore, #tpu.memory_space<semaphore_mem>>
      %dma_start3A_46 = arith.constant 0 : i32
      %dma_start3A_47 = tpu.memref_slice %arg6[%mul3A_19, %add3A_1, %dma_start3A_46] : memref<10240x4x96xf32, #tpu.memory_space<hbm>> -> memref<640x1x96xf32, #tpu.memory_space<hbm>>
      %dma_start3A_48 = tpu.memref_squeeze %dma_start3A_47 : memref<640x1x96xf32, #tpu.memory_space<hbm>> -> memref<640x96xf32, #tpu.memory_space<hbm>>
      %dma_start3A_49 = arith.constant 0 : i32
      %dma_start3A_50 = tpu.memref_slice %arg7[%mul3A_17, %dma_start3A_49] : memref<10240x96xf32, #tpu.memory_space<vmem_shared>> -> memref<640x96xf32, #tpu.memory_space<vmem_shared>>
      tpu.enqueue_dma source(%dma_start3A_50 : memref<640x96xf32, #tpu.memory_space<vmem_shared>>) target(%dma_start3A_48 : memref<640x96xf32, #tpu.memory_space<hbm>>) target_semaphore(%run_scoped3A : memref<!tpu.dma_semaphore, #tpu.memory_space<semaphore_mem>>)
      %dma_wait3A = arith.constant 0 : i32
      %dma_wait3A_51 = tpu.memref_slice %arg6[%mul3A_19, %add3A_1, %dma_wait3A] : memref<10240x4x96xf32, #tpu.memory_space<hbm>> -> memref<640x1x96xf32, #tpu.memory_space<hbm>>
      %dma_wait3A_52 = tpu.memref_squeeze %dma_wait3A_51 : memref<640x1x96xf32, #tpu.memory_space<hbm>> -> memref<640x96xf32, #tpu.memory_space<hbm>>
      %dma_wait3A_53 = arith.constant 0 : i32
      %dma_wait3A_54 = tpu.memref_slice %arg7[%mul3A_17, %dma_wait3A_53] : memref<10240x96xf32, #tpu.memory_space<vmem_shared>> -> memref<640x96xf32, #tpu.memory_space<vmem_shared>>
      tpu.wait_dma2 semaphore(%run_scoped3A : memref<!tpu.dma_semaphore, #tpu.memory_space<semaphore_mem>>) src(%dma_wait3A_54 : memref<640x96xf32, #tpu.memory_space<vmem_shared>>) dst(%dma_wait3A_52 : memref<640x96xf32, #tpu.memory_space<hbm>>)
      tpu.yield
    }) : () -> ()
    %barrier3A_20 = arith.constant 0 : index
    tpu.barrier barrier_id(%barrier3A_20)
    %mul3A_21 = arith.constant 2 : i32
    %mul3A_22 = arith.muli %arg0, %mul3A_21 : i32
    %add3A_23 = arith.constant 1 : i32
    %add3A_24 = arith.addi %mul3A_22, %add3A_23 : i32
    %mul3A_25 = arith.constant 640 : i32
    %mul3A_26 = arith.muli %arg1, %mul3A_25 : i32
    "tpu.region"() ({
      %run_scoped3A = tpu.sem_alloc : memref<!tpu.dma_semaphore, #tpu.memory_space<semaphore_mem>>
      %dma_start3A_46 = arith.constant 0 : i32
      %dma_start3A_47 = tpu.memref_slice %arg7[%mul3A_26, %dma_start3A_46] : memref<10240x96xf32, #tpu.memory_space<vmem_shared>> -> memref<640x96xf32, #tpu.memory_space<vmem_shared>>
      tpu.enqueue_dma source(%arg5 : memref<640x96xf32, #tpu.memory_space<hbm>>) target(%dma_start3A_47 : memref<640x96xf32, #tpu.memory_space<vmem_shared>>) target_semaphore(%run_scoped3A : memref<!tpu.dma_semaphore, #tpu.memory_space<semaphore_mem>>)
      %dma_wait3A = arith.constant 0 : i32
      %dma_wait3A_48 = tpu.memref_slice %arg7[%mul3A_26, %dma_wait3A] : memref<10240x96xf32, #tpu.memory_space<vmem_shared>> -> memref<640x96xf32, #tpu.memory_space<vmem_shared>>
      tpu.wait_dma2 semaphore(%run_scoped3A : memref<!tpu.dma_semaphore, #tpu.memory_space<semaphore_mem>>) src(%arg5 : memref<640x96xf32, #tpu.memory_space<hbm>>) dst(%dma_wait3A_48 : memref<640x96xf32, #tpu.memory_space<vmem_shared>>)
      tpu.yield
    }) : () -> ()
    "tpu.region"() ({
      %run_scoped3A = tpu.sem_alloc : memref<!tpu.dma_semaphore, #tpu.memory_space<semaphore_mem>>
      %dma_start3A_46 = arith.constant 0 : i32
      %dma_start3A_47 = arith.constant 0 : i32
      %dma_start3A_48 = tpu.memref_slice %arg3[%add3A_24, %arg1, %dma_start3A_46, %dma_start3A_47] : memref<4x16x158x128xi32, #tpu.memory_space<hbm>> -> memref<1x1x158x128xi32, #tpu.memory_space<hbm>>
      %dma_start3A_49 = tpu.memref_squeeze %dma_start3A_48 : memref<1x1x158x128xi32, #tpu.memory_space<hbm>> -> memref<158x128xi32, #tpu.memory_space<hbm>>
      %dma_start3A_50 = arith.constant 0 : i32
      %dma_start3A_51 = arith.constant 0 : i32
      %dma_start3A_52 = tpu.memref_slice %arg3[%add3A_24, %arg1, %dma_start3A_50, %dma_start3A_51] : memref<4x16x158x128xi32, #tpu.memory_space<hbm>> -> memref<1x1x158x128xi32, #tpu.memory_space<hbm>>
      %dma_start3A_53 = tpu.memref_squeeze %dma_start3A_52 : memref<1x1x158x128xi32, #tpu.memory_space<hbm>> -> memref<158x128xi32, #tpu.memory_space<hbm>>
      tpu.enqueue_dma source(%dma_start3A_53 : memref<158x128xi32, #tpu.memory_space<hbm>>) target(%arg8 : memref<158x128xi32, #tpu.memory_space<vmem>>) target_semaphore(%run_scoped3A : memref<!tpu.dma_semaphore, #tpu.memory_space<semaphore_mem>>)
      %dma_wait3A = arith.constant 0 : i32
      %dma_wait3A_54 = arith.constant 0 : i32
      %dma_wait3A_55 = tpu.memref_slice %arg3[%add3A_24, %arg1, %dma_wait3A, %dma_wait3A_54] : memref<4x16x158x128xi32, #tpu.memory_space<hbm>> -> memref<1x1x158x128xi32, #tpu.memory_space<hbm>>
      %dma_wait3A_56 = tpu.memref_squeeze %dma_wait3A_55 : memref<1x1x158x128xi32, #tpu.memory_space<hbm>> -> memref<158x128xi32, #tpu.memory_space<hbm>>
      %dma_wait3A_57 = arith.constant 0 : i32
      %dma_wait3A_58 = arith.constant 0 : i32
      %dma_wait3A_59 = tpu.memref_slice %arg3[%add3A_24, %arg1, %dma_wait3A_57, %dma_wait3A_58] : memref<4x16x158x128xi32, #tpu.memory_space<hbm>> -> memref<1x1x158x128xi32, #tpu.memory_space<hbm>>
      %dma_wait3A_60 = tpu.memref_squeeze %dma_wait3A_59 : memref<1x1x158x128xi32, #tpu.memory_space<hbm>> -> memref<158x128xi32, #tpu.memory_space<hbm>>
      tpu.wait_dma2 semaphore(%run_scoped3A : memref<!tpu.dma_semaphore, #tpu.memory_space<semaphore_mem>>) src(%dma_wait3A_60 : memref<158x128xi32, #tpu.memory_space<hbm>>) dst(%arg8 : memref<158x128xi32, #tpu.memory_space<vmem>>)
      tpu.yield
    }) : () -> ()
    %barrier3A_27 = arith.constant 0 : index
    tpu.barrier barrier_id(%barrier3A_27)
    %dma_start3A_28 = arith.constant 0 : i32
    %dma_start3A_29 = arith.constant 0 : i32
    %dma_start3A_30 = tpu.memref_slice %arg8[%dma_start3A_28, %dma_start3A_29] : memref<158x128xi32, #tpu.memory_space<vmem>> -> memref<1x128xi32, #tpu.memory_space<vmem>>
    %dma_start3A_31 = tpu.memref_squeeze %dma_start3A_30 : memref<1x128xi32, #tpu.memory_space<vmem>> -> memref<128xi32, #tpu.memory_space<vmem>>
    %dma_start3A_32 = arith.constant 0 : i32
    %dma_start3A_33 = arith.constant 0 : i32
    %dma_start3A_34 = tpu.memref_slice %arg2[%dma_start3A_32, %dma_start3A_33] : memref<40960x96xf32, #tpu.memory_space<hbm>> -> memref<40960x96xf32, #tpu.memory_space<hbm>>
    tpu.enqueue_indirect_dma source(%dma_start3A_34 : memref<40960x96xf32, #tpu.memory_space<hbm>>) target(%arg10 : memref<128x96xf32, #tpu.memory_space<vmem>>) offsets(%dma_start3A_31 : memref<128xi32, #tpu.memory_space<vmem>>) semaphore(%arg12 : memref<!tpu.dma_semaphore, #tpu.memory_space<semaphore_mem>>)
    %scan3A_35 = arith.constant 0 : i32
    %scan3A_36 = arith.constant 0 : i32
    %scan3A_37 = arith.constant 79 : i32
    %scan3A_38 = arith.addi %scan3A_36, %scan3A_37 : i32
    %scan3A_39 = arith.constant 1 : i32
    scf.for %scan3A_46 = %scan3A_36 to %scan3A_38 step %scan3A_39  : i32 {
      %mul3A_47 = arith.constant 2 : i32
      %mul3A_48 = arith.muli %mul3A_47, %scan3A_46 : i32
      %add3A_49 = arith.constant 1 : i32
      %add3A_50 = arith.addi %mul3A_48, %add3A_49 : i32
      %dma_start3A_51 = arith.constant 0 : i32
      %dma_start3A_52 = tpu.memref_slice %arg8[%add3A_50, %dma_start3A_51] : memref<158x128xi32, #tpu.memory_space<vmem>> -> memref<1x128xi32, #tpu.memory_space<vmem>>
      %dma_start3A_53 = tpu.memref_squeeze %dma_start3A_52 : memref<1x128xi32, #tpu.memory_space<vmem>> -> memref<128xi32, #tpu.memory_space<vmem>>
      %dma_start3A_54 = arith.constant 0 : i32
      %dma_start3A_55 = arith.constant 0 : i32
      %dma_start3A_56 = tpu.memref_slice %arg2[%dma_start3A_54, %dma_start3A_55] : memref<40960x96xf32, #tpu.memory_space<hbm>> -> memref<40960x96xf32, #tpu.memory_space<hbm>>
      tpu.enqueue_indirect_dma source(%dma_start3A_56 : memref<40960x96xf32, #tpu.memory_space<hbm>>) target(%arg11 : memref<128x96xf32, #tpu.memory_space<vmem>>) offsets(%dma_start3A_53 : memref<128xi32, #tpu.memory_space<vmem>>) semaphore(%arg13 : memref<!tpu.dma_semaphore, #tpu.memory_space<semaphore_mem>>)
      %dma_wait3A = arith.constant 0 : i32
      %dma_wait3A_57 = tpu.memref_slice %arg8[%mul3A_48, %dma_wait3A] : memref<158x128xi32, #tpu.memory_space<vmem>> -> memref<1x128xi32, #tpu.memory_space<vmem>>
      %dma_wait3A_58 = tpu.memref_squeeze %dma_wait3A_57 : memref<1x128xi32, #tpu.memory_space<vmem>> -> memref<128xi32, #tpu.memory_space<vmem>>
      %dma_wait3A_59 = arith.constant 0 : i32
      %dma_wait3A_60 = arith.constant 0 : i32
      %dma_wait3A_61 = tpu.memref_slice %arg2[%dma_wait3A_59, %dma_wait3A_60] : memref<40960x96xf32, #tpu.memory_space<hbm>> -> memref<40960x96xf32, #tpu.memory_space<hbm>>
      tpu.wait_indirect_dma semaphore(%arg12 : memref<!tpu.dma_semaphore, #tpu.memory_space<semaphore_mem>>) src(%dma_wait3A_61 : memref<40960x96xf32, #tpu.memory_space<hbm>>) dst(%arg10 : memref<128x96xf32, #tpu.memory_space<vmem>>)
      "tpu.region"() ({
        %run_scoped3A = tpu.sem_alloc : memref<!tpu.dma_semaphore, #tpu.memory_space<semaphore_mem>>
        %dma_start3A_74 = arith.constant 0 : i32
        %dma_start3A_75 = tpu.memref_slice %arg9[%mul3A_48, %dma_start3A_74] : memref<158x128xi32, #tpu.memory_space<vmem>> -> memref<1x128xi32, #tpu.memory_space<vmem>>
        %dma_start3A_76 = tpu.memref_squeeze %dma_start3A_75 : memref<1x128xi32, #tpu.memory_space<vmem>> -> memref<128xi32, #tpu.memory_space<vmem>>
        %dma_start3A_77 = arith.constant 0 : i32
        %dma_start3A_78 = arith.constant 0 : i32
        %dma_start3A_79 = tpu.memref_slice %arg7[%dma_start3A_77, %dma_start3A_78] : memref<10240x96xf32, #tpu.memory_space<vmem_shared>> -> memref<10240x96xf32, #tpu.memory_space<vmem_shared>>
        tpu.enqueue_indirect_dma source(%arg10 : memref<128x96xf32, #tpu.memory_space<vmem>>) target(%dma_start3A_79 : memref<10240x96xf32, #tpu.memory_space<vmem_shared>>) offsets(%dma_start3A_76 : memref<128xi32, #tpu.memory_space<vmem>>) semaphore(%run_scoped3A : memref<!tpu.dma_semaphore, #tpu.memory_space<semaphore_mem>>) {add = true}
        %dma_wait3A_80 = arith.constant 0 : i32
        %dma_wait3A_81 = tpu.memref_slice %arg9[%mul3A_48, %dma_wait3A_80] : memref<158x128xi32, #tpu.memory_space<vmem>> -> memref<1x128xi32, #tpu.memory_space<vmem>>
        %dma_wait3A_82 = tpu.memref_squeeze %dma_wait3A_81 : memref<1x128xi32, #tpu.memory_space<vmem>> -> memref<128xi32, #tpu.memory_space<vmem>>
        %dma_wait3A_83 = arith.constant 0 : i32
        %dma_wait3A_84 = arith.constant 0 : i32
        %dma_wait3A_85 = tpu.memref_slice %arg7[%dma_wait3A_83, %dma_wait3A_84] : memref<10240x96xf32, #tpu.memory_space<vmem_shared>> -> memref<10240x96xf32, #tpu.memory_space<vmem_shared>>
        tpu.wait_indirect_dma semaphore(%run_scoped3A : memref<!tpu.dma_semaphore, #tpu.memory_space<semaphore_mem>>) src(%arg10 : memref<128x96xf32, #tpu.memory_space<vmem>>) dst(%dma_wait3A_85 : memref<10240x96xf32, #tpu.memory_space<vmem_shared>>)
        tpu.yield
      }) : () -> ()
      %lt3A = arith.constant 78 : i32
      %lt3A_62 = arith.cmpi slt, %scan3A_46, %lt3A : i32
      %convert_element_type3A = arith.extui %lt3A_62 : i1 to i32
      %cond3A = arith.constant 0 : i32
      %cond3A_63 = arith.cmpi ne, %convert_element_type3A, %cond3A : i32
      scf.if %cond3A_63 {
        %add3A_74 = arith.constant 2 : i32
        %add3A_75 = arith.addi %mul3A_48, %add3A_74 : i32
        %dma_start3A_76 = arith.constant 0 : i32
        %dma_start3A_77 = tpu.memref_slice %arg8[%add3A_75, %dma_start3A_76] : memref<158x128xi32, #tpu.memory_space<vmem>> -> memref<1x128xi32, #tpu.memory_space<vmem>>
        %dma_start3A_78 = tpu.memref_squeeze %dma_start3A_77 : memref<1x128xi32, #tpu.memory_space<vmem>> -> memref<128xi32, #tpu.memory_space<vmem>>
        %dma_start3A_79 = arith.constant 0 : i32
        %dma_start3A_80 = arith.constant 0 : i32
        %dma_start3A_81 = tpu.memref_slice %arg2[%dma_start3A_79, %dma_start3A_80] : memref<40960x96xf32, #tpu.memory_space<hbm>> -> memref<40960x96xf32, #tpu.memory_space<hbm>>
        tpu.enqueue_indirect_dma source(%dma_start3A_81 : memref<40960x96xf32, #tpu.memory_space<hbm>>) target(%arg10 : memref<128x96xf32, #tpu.memory_space<vmem>>) offsets(%dma_start3A_78 : memref<128xi32, #tpu.memory_space<vmem>>) semaphore(%arg12 : memref<!tpu.dma_semaphore, #tpu.memory_space<semaphore_mem>>)
      } else {
      }
      %add3A_64 = arith.constant 1 : i32
      %add3A_65 = arith.addi %mul3A_48, %add3A_64 : i32
      %dma_wait3A_66 = arith.constant 0 : i32
      %dma_wait3A_67 = tpu.memref_slice %arg8[%add3A_65, %dma_wait3A_66] : memref<158x128xi32, #tpu.memory_space<vmem>> -> memref<1x128xi32, #tpu.memory_space<vmem>>
      %dma_wait3A_68 = tpu.memref_squeeze %dma_wait3A_67 : memref<1x128xi32, #tpu.memory_space<vmem>> -> memref<128xi32, #tpu.memory_space<vmem>>
      %dma_wait3A_69 = arith.constant 0 : i32
      %dma_wait3A_70 = arith.constant 0 : i32
      %dma_wait3A_71 = tpu.memref_slice %arg2[%dma_wait3A_69, %dma_wait3A_70] : memref<40960x96xf32, #tpu.memory_space<hbm>> -> memref<40960x96xf32, #tpu.memory_space<hbm>>
      tpu.wait_indirect_dma semaphore(%arg13 : memref<!tpu.dma_semaphore, #tpu.memory_space<semaphore_mem>>) src(%dma_wait3A_71 : memref<40960x96xf32, #tpu.memory_space<hbm>>) dst(%arg11 : memref<128x96xf32, #tpu.memory_space<vmem>>)
      %add3A_72 = arith.constant 1 : i32
      %add3A_73 = arith.addi %mul3A_48, %add3A_72 : i32
      "tpu.region"() ({
        %run_scoped3A = tpu.sem_alloc : memref<!tpu.dma_semaphore, #tpu.memory_space<semaphore_mem>>
        %dma_start3A_74 = arith.constant 0 : i32
        %dma_start3A_75 = tpu.memref_slice %arg9[%add3A_73, %dma_start3A_74] : memref<158x128xi32, #tpu.memory_space<vmem>> -> memref<1x128xi32, #tpu.memory_space<vmem>>
        %dma_start3A_76 = tpu.memref_squeeze %dma_start3A_75 : memref<1x128xi32, #tpu.memory_space<vmem>> -> memref<128xi32, #tpu.memory_space<vmem>>
        %dma_start3A_77 = arith.constant 0 : i32
        %dma_start3A_78 = arith.constant 0 : i32
        %dma_start3A_79 = tpu.memref_slice %arg7[%dma_start3A_77, %dma_start3A_78] : memref<10240x96xf32, #tpu.memory_space<vmem_shared>> -> memref<10240x96xf32, #tpu.memory_space<vmem_shared>>
        tpu.enqueue_indirect_dma source(%arg11 : memref<128x96xf32, #tpu.memory_space<vmem>>) target(%dma_start3A_79 : memref<10240x96xf32, #tpu.memory_space<vmem_shared>>) offsets(%dma_start3A_76 : memref<128xi32, #tpu.memory_space<vmem>>) semaphore(%run_scoped3A : memref<!tpu.dma_semaphore, #tpu.memory_space<semaphore_mem>>) {add = true}
        %dma_wait3A_80 = arith.constant 0 : i32
        %dma_wait3A_81 = tpu.memref_slice %arg9[%add3A_73, %dma_wait3A_80] : memref<158x128xi32, #tpu.memory_space<vmem>> -> memref<1x128xi32, #tpu.memory_space<vmem>>
        %dma_wait3A_82 = tpu.memref_squeeze %dma_wait3A_81 : memref<1x128xi32, #tpu.memory_space<vmem>> -> memref<128xi32, #tpu.memory_space<vmem>>
        %dma_wait3A_83 = arith.constant 0 : i32
        %dma_wait3A_84 = arith.constant 0 : i32
        %dma_wait3A_85 = tpu.memref_slice %arg7[%dma_wait3A_83, %dma_wait3A_84] : memref<10240x96xf32, #tpu.memory_space<vmem_shared>> -> memref<10240x96xf32, #tpu.memory_space<vmem_shared>>
        tpu.wait_indirect_dma semaphore(%run_scoped3A : memref<!tpu.dma_semaphore, #tpu.memory_space<semaphore_mem>>) src(%arg11 : memref<128x96xf32, #tpu.memory_space<vmem>>) dst(%dma_wait3A_85 : memref<10240x96xf32, #tpu.memory_space<vmem_shared>>)
        tpu.yield
      }) : () -> ()
    }
    %scan3A_40 = arith.constant 79 : i32
    %barrier3A_41 = arith.constant 0 : index
    tpu.barrier barrier_id(%barrier3A_41)
    %mul3A_42 = arith.constant 640 : i32
    %mul3A_43 = arith.muli %arg1, %mul3A_42 : i32
    %mul3A_44 = arith.constant 640 : i32
    %mul3A_45 = arith.muli %arg1, %mul3A_44 : i32
    "tpu.region"() ({
      %run_scoped3A = tpu.sem_alloc : memref<!tpu.dma_semaphore, #tpu.memory_space<semaphore_mem>>
      %dma_start3A_46 = arith.constant 0 : i32
      %dma_start3A_47 = tpu.memref_slice %arg6[%mul3A_45, %add3A_24, %dma_start3A_46] : memref<10240x4x96xf32, #tpu.memory_space<hbm>> -> memref<640x1x96xf32, #tpu.memory_space<hbm>>
      %dma_start3A_48 = tpu.memref_squeeze %dma_start3A_47 : memref<640x1x96xf32, #tpu.memory_space<hbm>> -> memref<640x96xf32, #tpu.memory_space<hbm>>
      %dma_start3A_49 = arith.constant 0 : i32
      %dma_start3A_50 = tpu.memref_slice %arg7[%mul3A_43, %dma_start3A_49] : memref<10240x96xf32, #tpu.memory_space<vmem_shared>> -> memref<640x96xf32, #tpu.memory_space<vmem_shared>>
      tpu.enqueue_dma source(%dma_start3A_50 : memref<640x96xf32, #tpu.memory_space<vmem_shared>>) target(%dma_start3A_48 : memref<640x96xf32, #tpu.memory_space<hbm>>) target_semaphore(%run_scoped3A : memref<!tpu.dma_semaphore, #tpu.memory_space<semaphore_mem>>)
      %dma_wait3A = arith.constant 0 : i32
      %dma_wait3A_51 = tpu.memref_slice %arg6[%mul3A_45, %add3A_24, %dma_wait3A] : memref<10240x4x96xf32, #tpu.memory_space<hbm>> -> memref<640x1x96xf32, #tpu.memory_space<hbm>>
      %dma_wait3A_52 = tpu.memref_squeeze %dma_wait3A_51 : memref<640x1x96xf32, #tpu.memory_space<hbm>> -> memref<640x96xf32, #tpu.memory_space<hbm>>
      %dma_wait3A_53 = arith.constant 0 : i32
      %dma_wait3A_54 = tpu.memref_slice %arg7[%mul3A_43, %dma_wait3A_53] : memref<10240x96xf32, #tpu.memory_space<vmem_shared>> -> memref<640x96xf32, #tpu.memory_space<vmem_shared>>
      tpu.wait_dma2 semaphore(%run_scoped3A : memref<!tpu.dma_semaphore, #tpu.memory_space<semaphore_mem>>) src(%dma_wait3A_54 : memref<640x96xf32, #tpu.memory_space<vmem_shared>>) dst(%dma_wait3A_52 : memref<640x96xf32, #tpu.memory_space<hbm>>)
      tpu.yield
    }) : () -> ()
    return
  }
}

#map = affine_map<(d0, d1) -> (0, 0)>
#map1 = affine_map<(d0, d1) -> (0, 0, 0, 0)>
#map2 = affine_map<(d0, d1) -> (0, 0, 0)>
module attributes {stable_mosaic.version = 14 : i64} {
  func.func @agg(%arg0: i32, %arg1: i32, %arg2: memref<20480x64xf32, #tpu.memory_space<hbm>>, %arg3: memref<2x16x158x128xi32, #tpu.memory_space<hbm>>, %arg4: memref<16x158x128xi32, #tpu.memory_space<hbm>>, %arg5: memref<640x64xf32, #tpu.memory_space<hbm>>, %arg6: memref<10240x2x64xf32, #tpu.memory_space<hbm>>, %arg7: memref<10240x64xf32, #tpu.memory_space<vmem_shared>>, %arg8: memref<158x128xi32, #tpu.memory_space<vmem>>, %arg9: memref<158x128xi32, #tpu.memory_space<vmem>>, %arg10: memref<128x64xf32, #tpu.memory_space<vmem>>, %arg11: memref<128x64xf32, #tpu.memory_space<vmem>>, %arg12: memref<!tpu.dma_semaphore, #tpu.memory_space<semaphore_mem>>, %arg13: memref<!tpu.dma_semaphore, #tpu.memory_space<semaphore_mem>>) attributes {dimension_semantics = [#tpu.dimension_semantics<core_parallel>, #tpu.dimension_semantics<subcore_parallel>], iteration_bounds = array<i64: 2, 16>, scalar_prefetch = 0 : i64, scratch_operands = 7 : i64, tpu.core_type = #tpu.core_type<sc_vector_subcore>, window_params = [{transform_indices = #map}, {transform_indices = #map1}, {transform_indices = #map2}, {transform_indices = #map}, {transform_indices = #map2}]} {
    "tpu.region"() ({
      %run_scoped3A = tpu.sem_alloc : memref<!tpu.dma_semaphore, #tpu.memory_space<semaphore_mem>>
      %dma_start3A_20 = arith.constant 0 : i32
      %dma_start3A_21 = arith.constant 0 : i32
      %dma_start3A_22 = tpu.memref_slice %arg4[%arg1, %dma_start3A_20, %dma_start3A_21] : memref<16x158x128xi32, #tpu.memory_space<hbm>> -> memref<1x158x128xi32, #tpu.memory_space<hbm>>
      %dma_start3A_23 = tpu.memref_squeeze %dma_start3A_22 : memref<1x158x128xi32, #tpu.memory_space<hbm>> -> memref<158x128xi32, #tpu.memory_space<hbm>>
      %dma_start3A_24 = arith.constant 0 : i32
      %dma_start3A_25 = arith.constant 0 : i32
      %dma_start3A_26 = tpu.memref_slice %arg4[%arg1, %dma_start3A_24, %dma_start3A_25] : memref<16x158x128xi32, #tpu.memory_space<hbm>> -> memref<1x158x128xi32, #tpu.memory_space<hbm>>
      %dma_start3A_27 = tpu.memref_squeeze %dma_start3A_26 : memref<1x158x128xi32, #tpu.memory_space<hbm>> -> memref<158x128xi32, #tpu.memory_space<hbm>>
      tpu.enqueue_dma source(%dma_start3A_27 : memref<158x128xi32, #tpu.memory_space<hbm>>) target(%arg9 : memref<158x128xi32, #tpu.memory_space<vmem>>) target_semaphore(%run_scoped3A : memref<!tpu.dma_semaphore, #tpu.memory_space<semaphore_mem>>)
      %dma_wait3A = arith.constant 0 : i32
      %dma_wait3A_28 = arith.constant 0 : i32
      %dma_wait3A_29 = tpu.memref_slice %arg4[%arg1, %dma_wait3A, %dma_wait3A_28] : memref<16x158x128xi32, #tpu.memory_space<hbm>> -> memref<1x158x128xi32, #tpu.memory_space<hbm>>
      %dma_wait3A_30 = tpu.memref_squeeze %dma_wait3A_29 : memref<1x158x128xi32, #tpu.memory_space<hbm>> -> memref<158x128xi32, #tpu.memory_space<hbm>>
      %dma_wait3A_31 = arith.constant 0 : i32
      %dma_wait3A_32 = arith.constant 0 : i32
      %dma_wait3A_33 = tpu.memref_slice %arg4[%arg1, %dma_wait3A_31, %dma_wait3A_32] : memref<16x158x128xi32, #tpu.memory_space<hbm>> -> memref<1x158x128xi32, #tpu.memory_space<hbm>>
      %dma_wait3A_34 = tpu.memref_squeeze %dma_wait3A_33 : memref<1x158x128xi32, #tpu.memory_space<hbm>> -> memref<158x128xi32, #tpu.memory_space<hbm>>
      tpu.wait_dma2 semaphore(%run_scoped3A : memref<!tpu.dma_semaphore, #tpu.memory_space<semaphore_mem>>) src(%dma_wait3A_34 : memref<158x128xi32, #tpu.memory_space<hbm>>) dst(%arg9 : memref<158x128xi32, #tpu.memory_space<vmem>>)
      tpu.yield
    }) : () -> ()
    %mul3A = arith.constant 1 : i32
    %mul3A_0 = arith.muli %arg0, %mul3A : i32
    %add3A = arith.constant 0 : i32
    %add3A_1 = arith.addi %mul3A_0, %add3A : i32
    %mul3A_2 = arith.constant 640 : i32
    %mul3A_3 = arith.muli %arg1, %mul3A_2 : i32
    "tpu.region"() ({
      %run_scoped3A = tpu.sem_alloc : memref<!tpu.dma_semaphore, #tpu.memory_space<semaphore_mem>>
      %dma_start3A_20 = arith.constant 0 : i32
      %dma_start3A_21 = tpu.memref_slice %arg7[%mul3A_3, %dma_start3A_20] : memref<10240x64xf32, #tpu.memory_space<vmem_shared>> -> memref<640x64xf32, #tpu.memory_space<vmem_shared>>
      tpu.enqueue_dma source(%arg5 : memref<640x64xf32, #tpu.memory_space<hbm>>) target(%dma_start3A_21 : memref<640x64xf32, #tpu.memory_space<vmem_shared>>) target_semaphore(%run_scoped3A : memref<!tpu.dma_semaphore, #tpu.memory_space<semaphore_mem>>)
      %dma_wait3A = arith.constant 0 : i32
      %dma_wait3A_22 = tpu.memref_slice %arg7[%mul3A_3, %dma_wait3A] : memref<10240x64xf32, #tpu.memory_space<vmem_shared>> -> memref<640x64xf32, #tpu.memory_space<vmem_shared>>
      tpu.wait_dma2 semaphore(%run_scoped3A : memref<!tpu.dma_semaphore, #tpu.memory_space<semaphore_mem>>) src(%arg5 : memref<640x64xf32, #tpu.memory_space<hbm>>) dst(%dma_wait3A_22 : memref<640x64xf32, #tpu.memory_space<vmem_shared>>)
      tpu.yield
    }) : () -> ()
    "tpu.region"() ({
      %run_scoped3A = tpu.sem_alloc : memref<!tpu.dma_semaphore, #tpu.memory_space<semaphore_mem>>
      %dma_start3A_20 = arith.constant 0 : i32
      %dma_start3A_21 = arith.constant 0 : i32
      %dma_start3A_22 = tpu.memref_slice %arg3[%add3A_1, %arg1, %dma_start3A_20, %dma_start3A_21] : memref<2x16x158x128xi32, #tpu.memory_space<hbm>> -> memref<1x1x158x128xi32, #tpu.memory_space<hbm>>
      %dma_start3A_23 = tpu.memref_squeeze %dma_start3A_22 : memref<1x1x158x128xi32, #tpu.memory_space<hbm>> -> memref<158x128xi32, #tpu.memory_space<hbm>>
      %dma_start3A_24 = arith.constant 0 : i32
      %dma_start3A_25 = arith.constant 0 : i32
      %dma_start3A_26 = tpu.memref_slice %arg3[%add3A_1, %arg1, %dma_start3A_24, %dma_start3A_25] : memref<2x16x158x128xi32, #tpu.memory_space<hbm>> -> memref<1x1x158x128xi32, #tpu.memory_space<hbm>>
      %dma_start3A_27 = tpu.memref_squeeze %dma_start3A_26 : memref<1x1x158x128xi32, #tpu.memory_space<hbm>> -> memref<158x128xi32, #tpu.memory_space<hbm>>
      tpu.enqueue_dma source(%dma_start3A_27 : memref<158x128xi32, #tpu.memory_space<hbm>>) target(%arg8 : memref<158x128xi32, #tpu.memory_space<vmem>>) target_semaphore(%run_scoped3A : memref<!tpu.dma_semaphore, #tpu.memory_space<semaphore_mem>>)
      %dma_wait3A = arith.constant 0 : i32
      %dma_wait3A_28 = arith.constant 0 : i32
      %dma_wait3A_29 = tpu.memref_slice %arg3[%add3A_1, %arg1, %dma_wait3A, %dma_wait3A_28] : memref<2x16x158x128xi32, #tpu.memory_space<hbm>> -> memref<1x1x158x128xi32, #tpu.memory_space<hbm>>
      %dma_wait3A_30 = tpu.memref_squeeze %dma_wait3A_29 : memref<1x1x158x128xi32, #tpu.memory_space<hbm>> -> memref<158x128xi32, #tpu.memory_space<hbm>>
      %dma_wait3A_31 = arith.constant 0 : i32
      %dma_wait3A_32 = arith.constant 0 : i32
      %dma_wait3A_33 = tpu.memref_slice %arg3[%add3A_1, %arg1, %dma_wait3A_31, %dma_wait3A_32] : memref<2x16x158x128xi32, #tpu.memory_space<hbm>> -> memref<1x1x158x128xi32, #tpu.memory_space<hbm>>
      %dma_wait3A_34 = tpu.memref_squeeze %dma_wait3A_33 : memref<1x1x158x128xi32, #tpu.memory_space<hbm>> -> memref<158x128xi32, #tpu.memory_space<hbm>>
      tpu.wait_dma2 semaphore(%run_scoped3A : memref<!tpu.dma_semaphore, #tpu.memory_space<semaphore_mem>>) src(%dma_wait3A_34 : memref<158x128xi32, #tpu.memory_space<hbm>>) dst(%arg8 : memref<158x128xi32, #tpu.memory_space<vmem>>)
      tpu.yield
    }) : () -> ()
    %barrier3A = arith.constant 0 : index
    tpu.barrier barrier_id(%barrier3A)
    %dma_start3A = arith.constant 0 : i32
    %dma_start3A_4 = arith.constant 0 : i32
    %dma_start3A_5 = tpu.memref_slice %arg8[%dma_start3A, %dma_start3A_4] : memref<158x128xi32, #tpu.memory_space<vmem>> -> memref<1x128xi32, #tpu.memory_space<vmem>>
    %dma_start3A_6 = tpu.memref_squeeze %dma_start3A_5 : memref<1x128xi32, #tpu.memory_space<vmem>> -> memref<128xi32, #tpu.memory_space<vmem>>
    %dma_start3A_7 = arith.constant 0 : i32
    %dma_start3A_8 = arith.constant 0 : i32
    %dma_start3A_9 = tpu.memref_slice %arg2[%dma_start3A_7, %dma_start3A_8] : memref<20480x64xf32, #tpu.memory_space<hbm>> -> memref<20480x64xf32, #tpu.memory_space<hbm>>
    tpu.enqueue_indirect_dma source(%dma_start3A_9 : memref<20480x64xf32, #tpu.memory_space<hbm>>) target(%arg10 : memref<128x64xf32, #tpu.memory_space<vmem>>) offsets(%dma_start3A_6 : memref<128xi32, #tpu.memory_space<vmem>>) semaphore(%arg12 : memref<!tpu.dma_semaphore, #tpu.memory_space<semaphore_mem>>)
    %scan3A = arith.constant 0 : i32
    %scan3A_10 = arith.constant 0 : i32
    %scan3A_11 = arith.constant 79 : i32
    %scan3A_12 = arith.addi %scan3A_10, %scan3A_11 : i32
    %scan3A_13 = arith.constant 1 : i32
    scf.for %scan3A_20 = %scan3A_10 to %scan3A_12 step %scan3A_13  : i32 {
      %mul3A_21 = arith.constant 2 : i32
      %mul3A_22 = arith.muli %mul3A_21, %scan3A_20 : i32
      %add3A_23 = arith.constant 1 : i32
      %add3A_24 = arith.addi %mul3A_22, %add3A_23 : i32
      %dma_start3A_25 = arith.constant 0 : i32
      %dma_start3A_26 = tpu.memref_slice %arg8[%add3A_24, %dma_start3A_25] : memref<158x128xi32, #tpu.memory_space<vmem>> -> memref<1x128xi32, #tpu.memory_space<vmem>>
      %dma_start3A_27 = tpu.memref_squeeze %dma_start3A_26 : memref<1x128xi32, #tpu.memory_space<vmem>> -> memref<128xi32, #tpu.memory_space<vmem>>
      %dma_start3A_28 = arith.constant 0 : i32
      %dma_start3A_29 = arith.constant 0 : i32
      %dma_start3A_30 = tpu.memref_slice %arg2[%dma_start3A_28, %dma_start3A_29] : memref<20480x64xf32, #tpu.memory_space<hbm>> -> memref<20480x64xf32, #tpu.memory_space<hbm>>
      tpu.enqueue_indirect_dma source(%dma_start3A_30 : memref<20480x64xf32, #tpu.memory_space<hbm>>) target(%arg11 : memref<128x64xf32, #tpu.memory_space<vmem>>) offsets(%dma_start3A_27 : memref<128xi32, #tpu.memory_space<vmem>>) semaphore(%arg13 : memref<!tpu.dma_semaphore, #tpu.memory_space<semaphore_mem>>)
      %dma_wait3A = arith.constant 0 : i32
      %dma_wait3A_31 = tpu.memref_slice %arg8[%mul3A_22, %dma_wait3A] : memref<158x128xi32, #tpu.memory_space<vmem>> -> memref<1x128xi32, #tpu.memory_space<vmem>>
      %dma_wait3A_32 = tpu.memref_squeeze %dma_wait3A_31 : memref<1x128xi32, #tpu.memory_space<vmem>> -> memref<128xi32, #tpu.memory_space<vmem>>
      %dma_wait3A_33 = arith.constant 0 : i32
      %dma_wait3A_34 = arith.constant 0 : i32
      %dma_wait3A_35 = tpu.memref_slice %arg2[%dma_wait3A_33, %dma_wait3A_34] : memref<20480x64xf32, #tpu.memory_space<hbm>> -> memref<20480x64xf32, #tpu.memory_space<hbm>>
      tpu.wait_indirect_dma semaphore(%arg12 : memref<!tpu.dma_semaphore, #tpu.memory_space<semaphore_mem>>) src(%dma_wait3A_35 : memref<20480x64xf32, #tpu.memory_space<hbm>>) dst(%arg10 : memref<128x64xf32, #tpu.memory_space<vmem>>)
      "tpu.region"() ({
        %run_scoped3A = tpu.sem_alloc : memref<!tpu.dma_semaphore, #tpu.memory_space<semaphore_mem>>
        %dma_start3A_48 = arith.constant 0 : i32
        %dma_start3A_49 = tpu.memref_slice %arg9[%mul3A_22, %dma_start3A_48] : memref<158x128xi32, #tpu.memory_space<vmem>> -> memref<1x128xi32, #tpu.memory_space<vmem>>
        %dma_start3A_50 = tpu.memref_squeeze %dma_start3A_49 : memref<1x128xi32, #tpu.memory_space<vmem>> -> memref<128xi32, #tpu.memory_space<vmem>>
        %dma_start3A_51 = arith.constant 0 : i32
        %dma_start3A_52 = arith.constant 0 : i32
        %dma_start3A_53 = tpu.memref_slice %arg7[%dma_start3A_51, %dma_start3A_52] : memref<10240x64xf32, #tpu.memory_space<vmem_shared>> -> memref<10240x64xf32, #tpu.memory_space<vmem_shared>>
        tpu.enqueue_indirect_dma source(%arg10 : memref<128x64xf32, #tpu.memory_space<vmem>>) target(%dma_start3A_53 : memref<10240x64xf32, #tpu.memory_space<vmem_shared>>) offsets(%dma_start3A_50 : memref<128xi32, #tpu.memory_space<vmem>>) semaphore(%run_scoped3A : memref<!tpu.dma_semaphore, #tpu.memory_space<semaphore_mem>>) {add = true}
        %dma_wait3A_54 = arith.constant 0 : i32
        %dma_wait3A_55 = tpu.memref_slice %arg9[%mul3A_22, %dma_wait3A_54] : memref<158x128xi32, #tpu.memory_space<vmem>> -> memref<1x128xi32, #tpu.memory_space<vmem>>
        %dma_wait3A_56 = tpu.memref_squeeze %dma_wait3A_55 : memref<1x128xi32, #tpu.memory_space<vmem>> -> memref<128xi32, #tpu.memory_space<vmem>>
        %dma_wait3A_57 = arith.constant 0 : i32
        %dma_wait3A_58 = arith.constant 0 : i32
        %dma_wait3A_59 = tpu.memref_slice %arg7[%dma_wait3A_57, %dma_wait3A_58] : memref<10240x64xf32, #tpu.memory_space<vmem_shared>> -> memref<10240x64xf32, #tpu.memory_space<vmem_shared>>
        tpu.wait_indirect_dma semaphore(%run_scoped3A : memref<!tpu.dma_semaphore, #tpu.memory_space<semaphore_mem>>) src(%arg10 : memref<128x64xf32, #tpu.memory_space<vmem>>) dst(%dma_wait3A_59 : memref<10240x64xf32, #tpu.memory_space<vmem_shared>>)
        tpu.yield
      }) : () -> ()
      %lt3A = arith.constant 78 : i32
      %lt3A_36 = arith.cmpi slt, %scan3A_20, %lt3A : i32
      %convert_element_type3A = arith.extui %lt3A_36 : i1 to i32
      %cond3A = arith.constant 0 : i32
      %cond3A_37 = arith.cmpi ne, %convert_element_type3A, %cond3A : i32
      scf.if %cond3A_37 {
        %add3A_48 = arith.constant 2 : i32
        %add3A_49 = arith.addi %mul3A_22, %add3A_48 : i32
        %dma_start3A_50 = arith.constant 0 : i32
        %dma_start3A_51 = tpu.memref_slice %arg8[%add3A_49, %dma_start3A_50] : memref<158x128xi32, #tpu.memory_space<vmem>> -> memref<1x128xi32, #tpu.memory_space<vmem>>
        %dma_start3A_52 = tpu.memref_squeeze %dma_start3A_51 : memref<1x128xi32, #tpu.memory_space<vmem>> -> memref<128xi32, #tpu.memory_space<vmem>>
        %dma_start3A_53 = arith.constant 0 : i32
        %dma_start3A_54 = arith.constant 0 : i32
        %dma_start3A_55 = tpu.memref_slice %arg2[%dma_start3A_53, %dma_start3A_54] : memref<20480x64xf32, #tpu.memory_space<hbm>> -> memref<20480x64xf32, #tpu.memory_space<hbm>>
        tpu.enqueue_indirect_dma source(%dma_start3A_55 : memref<20480x64xf32, #tpu.memory_space<hbm>>) target(%arg10 : memref<128x64xf32, #tpu.memory_space<vmem>>) offsets(%dma_start3A_52 : memref<128xi32, #tpu.memory_space<vmem>>) semaphore(%arg12 : memref<!tpu.dma_semaphore, #tpu.memory_space<semaphore_mem>>)
      } else {
      }
      %add3A_38 = arith.constant 1 : i32
      %add3A_39 = arith.addi %mul3A_22, %add3A_38 : i32
      %dma_wait3A_40 = arith.constant 0 : i32
      %dma_wait3A_41 = tpu.memref_slice %arg8[%add3A_39, %dma_wait3A_40] : memref<158x128xi32, #tpu.memory_space<vmem>> -> memref<1x128xi32, #tpu.memory_space<vmem>>
      %dma_wait3A_42 = tpu.memref_squeeze %dma_wait3A_41 : memref<1x128xi32, #tpu.memory_space<vmem>> -> memref<128xi32, #tpu.memory_space<vmem>>
      %dma_wait3A_43 = arith.constant 0 : i32
      %dma_wait3A_44 = arith.constant 0 : i32
      %dma_wait3A_45 = tpu.memref_slice %arg2[%dma_wait3A_43, %dma_wait3A_44] : memref<20480x64xf32, #tpu.memory_space<hbm>> -> memref<20480x64xf32, #tpu.memory_space<hbm>>
      tpu.wait_indirect_dma semaphore(%arg13 : memref<!tpu.dma_semaphore, #tpu.memory_space<semaphore_mem>>) src(%dma_wait3A_45 : memref<20480x64xf32, #tpu.memory_space<hbm>>) dst(%arg11 : memref<128x64xf32, #tpu.memory_space<vmem>>)
      %add3A_46 = arith.constant 1 : i32
      %add3A_47 = arith.addi %mul3A_22, %add3A_46 : i32
      "tpu.region"() ({
        %run_scoped3A = tpu.sem_alloc : memref<!tpu.dma_semaphore, #tpu.memory_space<semaphore_mem>>
        %dma_start3A_48 = arith.constant 0 : i32
        %dma_start3A_49 = tpu.memref_slice %arg9[%add3A_47, %dma_start3A_48] : memref<158x128xi32, #tpu.memory_space<vmem>> -> memref<1x128xi32, #tpu.memory_space<vmem>>
        %dma_start3A_50 = tpu.memref_squeeze %dma_start3A_49 : memref<1x128xi32, #tpu.memory_space<vmem>> -> memref<128xi32, #tpu.memory_space<vmem>>
        %dma_start3A_51 = arith.constant 0 : i32
        %dma_start3A_52 = arith.constant 0 : i32
        %dma_start3A_53 = tpu.memref_slice %arg7[%dma_start3A_51, %dma_start3A_52] : memref<10240x64xf32, #tpu.memory_space<vmem_shared>> -> memref<10240x64xf32, #tpu.memory_space<vmem_shared>>
        tpu.enqueue_indirect_dma source(%arg11 : memref<128x64xf32, #tpu.memory_space<vmem>>) target(%dma_start3A_53 : memref<10240x64xf32, #tpu.memory_space<vmem_shared>>) offsets(%dma_start3A_50 : memref<128xi32, #tpu.memory_space<vmem>>) semaphore(%run_scoped3A : memref<!tpu.dma_semaphore, #tpu.memory_space<semaphore_mem>>) {add = true}
        %dma_wait3A_54 = arith.constant 0 : i32
        %dma_wait3A_55 = tpu.memref_slice %arg9[%add3A_47, %dma_wait3A_54] : memref<158x128xi32, #tpu.memory_space<vmem>> -> memref<1x128xi32, #tpu.memory_space<vmem>>
        %dma_wait3A_56 = tpu.memref_squeeze %dma_wait3A_55 : memref<1x128xi32, #tpu.memory_space<vmem>> -> memref<128xi32, #tpu.memory_space<vmem>>
        %dma_wait3A_57 = arith.constant 0 : i32
        %dma_wait3A_58 = arith.constant 0 : i32
        %dma_wait3A_59 = tpu.memref_slice %arg7[%dma_wait3A_57, %dma_wait3A_58] : memref<10240x64xf32, #tpu.memory_space<vmem_shared>> -> memref<10240x64xf32, #tpu.memory_space<vmem_shared>>
        tpu.wait_indirect_dma semaphore(%run_scoped3A : memref<!tpu.dma_semaphore, #tpu.memory_space<semaphore_mem>>) src(%arg11 : memref<128x64xf32, #tpu.memory_space<vmem>>) dst(%dma_wait3A_59 : memref<10240x64xf32, #tpu.memory_space<vmem_shared>>)
        tpu.yield
      }) : () -> ()
    }
    %scan3A_14 = arith.constant 79 : i32
    %barrier3A_15 = arith.constant 0 : index
    tpu.barrier barrier_id(%barrier3A_15)
    %mul3A_16 = arith.constant 640 : i32
    %mul3A_17 = arith.muli %arg1, %mul3A_16 : i32
    %mul3A_18 = arith.constant 640 : i32
    %mul3A_19 = arith.muli %arg1, %mul3A_18 : i32
    "tpu.region"() ({
      %run_scoped3A = tpu.sem_alloc : memref<!tpu.dma_semaphore, #tpu.memory_space<semaphore_mem>>
      %dma_start3A_20 = arith.constant 0 : i32
      %dma_start3A_21 = tpu.memref_slice %arg6[%mul3A_19, %add3A_1, %dma_start3A_20] : memref<10240x2x64xf32, #tpu.memory_space<hbm>> -> memref<640x1x64xf32, #tpu.memory_space<hbm>>
      %dma_start3A_22 = tpu.memref_squeeze %dma_start3A_21 : memref<640x1x64xf32, #tpu.memory_space<hbm>> -> memref<640x64xf32, #tpu.memory_space<hbm>>
      %dma_start3A_23 = arith.constant 0 : i32
      %dma_start3A_24 = tpu.memref_slice %arg7[%mul3A_17, %dma_start3A_23] : memref<10240x64xf32, #tpu.memory_space<vmem_shared>> -> memref<640x64xf32, #tpu.memory_space<vmem_shared>>
      tpu.enqueue_dma source(%dma_start3A_24 : memref<640x64xf32, #tpu.memory_space<vmem_shared>>) target(%dma_start3A_22 : memref<640x64xf32, #tpu.memory_space<hbm>>) target_semaphore(%run_scoped3A : memref<!tpu.dma_semaphore, #tpu.memory_space<semaphore_mem>>)
      %dma_wait3A = arith.constant 0 : i32
      %dma_wait3A_25 = tpu.memref_slice %arg6[%mul3A_19, %add3A_1, %dma_wait3A] : memref<10240x2x64xf32, #tpu.memory_space<hbm>> -> memref<640x1x64xf32, #tpu.memory_space<hbm>>
      %dma_wait3A_26 = tpu.memref_squeeze %dma_wait3A_25 : memref<640x1x64xf32, #tpu.memory_space<hbm>> -> memref<640x64xf32, #tpu.memory_space<hbm>>
      %dma_wait3A_27 = arith.constant 0 : i32
      %dma_wait3A_28 = tpu.memref_slice %arg7[%mul3A_17, %dma_wait3A_27] : memref<10240x64xf32, #tpu.memory_space<vmem_shared>> -> memref<640x64xf32, #tpu.memory_space<vmem_shared>>
      tpu.wait_dma2 semaphore(%run_scoped3A : memref<!tpu.dma_semaphore, #tpu.memory_space<semaphore_mem>>) src(%dma_wait3A_28 : memref<640x64xf32, #tpu.memory_space<vmem_shared>>) dst(%dma_wait3A_26 : memref<640x64xf32, #tpu.memory_space<hbm>>)
      tpu.yield
    }) : () -> ()
    return
  }
}

#map = affine_map<(d0, d1) -> (0, 0)>
#map1 = affine_map<(d0, d1) -> (0, 0, 0, 0)>
#map2 = affine_map<(d0, d1) -> (0, 0, 0)>
module attributes {stable_mosaic.version = 14 : i64} {
  func.func @agg(%arg0: i32, %arg1: i32, %arg2: memref<40960x96xf32, #tpu.memory_space<hbm>>, %arg3: memref<4x16x158x128xi32, #tpu.memory_space<hbm>>, %arg4: memref<16x158x128xi32, #tpu.memory_space<hbm>>, %arg5: memref<640x96xf32, #tpu.memory_space<hbm>>, %arg6: memref<10240x4x96xf32, #tpu.memory_space<hbm>>, %arg7: memref<10240x96xf32, #tpu.memory_space<vmem_shared>>, %arg8: memref<158x128xi32, #tpu.memory_space<vmem>>, %arg9: memref<158x128xi32, #tpu.memory_space<vmem>>, %arg10: memref<128x96xf32, #tpu.memory_space<vmem>>, %arg11: memref<128x96xf32, #tpu.memory_space<vmem>>, %arg12: memref<!tpu.dma_semaphore, #tpu.memory_space<semaphore_mem>>, %arg13: memref<!tpu.dma_semaphore, #tpu.memory_space<semaphore_mem>>) attributes {dimension_semantics = [#tpu.dimension_semantics<core_parallel>, #tpu.dimension_semantics<subcore_parallel>], iteration_bounds = array<i64: 2, 16>, scalar_prefetch = 0 : i64, scratch_operands = 7 : i64, tpu.core_type = #tpu.core_type<sc_vector_subcore>, window_params = [{transform_indices = #map}, {transform_indices = #map1}, {transform_indices = #map2}, {transform_indices = #map}, {transform_indices = #map2}]} {
    "tpu.region"() ({
      %run_scoped3A = tpu.sem_alloc : memref<!tpu.dma_semaphore, #tpu.memory_space<semaphore_mem>>
      %dma_start3A_46 = arith.constant 0 : i32
      %dma_start3A_47 = arith.constant 0 : i32
      %dma_start3A_48 = tpu.memref_slice %arg4[%arg1, %dma_start3A_46, %dma_start3A_47] : memref<16x158x128xi32, #tpu.memory_space<hbm>> -> memref<1x158x128xi32, #tpu.memory_space<hbm>>
      %dma_start3A_49 = tpu.memref_squeeze %dma_start3A_48 : memref<1x158x128xi32, #tpu.memory_space<hbm>> -> memref<158x128xi32, #tpu.memory_space<hbm>>
      %dma_start3A_50 = arith.constant 0 : i32
      %dma_start3A_51 = arith.constant 0 : i32
      %dma_start3A_52 = tpu.memref_slice %arg4[%arg1, %dma_start3A_50, %dma_start3A_51] : memref<16x158x128xi32, #tpu.memory_space<hbm>> -> memref<1x158x128xi32, #tpu.memory_space<hbm>>
      %dma_start3A_53 = tpu.memref_squeeze %dma_start3A_52 : memref<1x158x128xi32, #tpu.memory_space<hbm>> -> memref<158x128xi32, #tpu.memory_space<hbm>>
      tpu.enqueue_dma source(%dma_start3A_53 : memref<158x128xi32, #tpu.memory_space<hbm>>) target(%arg9 : memref<158x128xi32, #tpu.memory_space<vmem>>) target_semaphore(%run_scoped3A : memref<!tpu.dma_semaphore, #tpu.memory_space<semaphore_mem>>)
      %dma_wait3A = arith.constant 0 : i32
      %dma_wait3A_54 = arith.constant 0 : i32
      %dma_wait3A_55 = tpu.memref_slice %arg4[%arg1, %dma_wait3A, %dma_wait3A_54] : memref<16x158x128xi32, #tpu.memory_space<hbm>> -> memref<1x158x128xi32, #tpu.memory_space<hbm>>
      %dma_wait3A_56 = tpu.memref_squeeze %dma_wait3A_55 : memref<1x158x128xi32, #tpu.memory_space<hbm>> -> memref<158x128xi32, #tpu.memory_space<hbm>>
      %dma_wait3A_57 = arith.constant 0 : i32
      %dma_wait3A_58 = arith.constant 0 : i32
      %dma_wait3A_59 = tpu.memref_slice %arg4[%arg1, %dma_wait3A_57, %dma_wait3A_58] : memref<16x158x128xi32, #tpu.memory_space<hbm>> -> memref<1x158x128xi32, #tpu.memory_space<hbm>>
      %dma_wait3A_60 = tpu.memref_squeeze %dma_wait3A_59 : memref<1x158x128xi32, #tpu.memory_space<hbm>> -> memref<158x128xi32, #tpu.memory_space<hbm>>
      tpu.wait_dma2 semaphore(%run_scoped3A : memref<!tpu.dma_semaphore, #tpu.memory_space<semaphore_mem>>) src(%dma_wait3A_60 : memref<158x128xi32, #tpu.memory_space<hbm>>) dst(%arg9 : memref<158x128xi32, #tpu.memory_space<vmem>>)
      tpu.yield
    }) : () -> ()
    %mul3A = arith.constant 2 : i32
    %mul3A_0 = arith.muli %arg0, %mul3A : i32
    %add3A = arith.constant 0 : i32
    %add3A_1 = arith.addi %mul3A_0, %add3A : i32
    %mul3A_2 = arith.constant 640 : i32
    %mul3A_3 = arith.muli %arg1, %mul3A_2 : i32
    "tpu.region"() ({
      %run_scoped3A = tpu.sem_alloc : memref<!tpu.dma_semaphore, #tpu.memory_space<semaphore_mem>>
      %dma_start3A_46 = arith.constant 0 : i32
      %dma_start3A_47 = tpu.memref_slice %arg7[%mul3A_3, %dma_start3A_46] : memref<10240x96xf32, #tpu.memory_space<vmem_shared>> -> memref<640x96xf32, #tpu.memory_space<vmem_shared>>
      tpu.enqueue_dma source(%arg5 : memref<640x96xf32, #tpu.memory_space<hbm>>) target(%dma_start3A_47 : memref<640x96xf32, #tpu.memory_space<vmem_shared>>) target_semaphore(%run_scoped3A : memref<!tpu.dma_semaphore, #tpu.memory_space<semaphore_mem>>)
      %dma_wait3A = arith.constant 0 : i32
      %dma_wait3A_48 = tpu.memref_slice %arg7[%mul3A_3, %dma_wait3A] : memref<10240x96xf32, #tpu.memory_space<vmem_shared>> -> memref<640x96xf32, #tpu.memory_space<vmem_shared>>
      tpu.wait_dma2 semaphore(%run_scoped3A : memref<!tpu.dma_semaphore, #tpu.memory_space<semaphore_mem>>) src(%arg5 : memref<640x96xf32, #tpu.memory_space<hbm>>) dst(%dma_wait3A_48 : memref<640x96xf32, #tpu.memory_space<vmem_shared>>)
      tpu.yield
    }) : () -> ()
    "tpu.region"() ({
      %run_scoped3A = tpu.sem_alloc : memref<!tpu.dma_semaphore, #tpu.memory_space<semaphore_mem>>
      %dma_start3A_46 = arith.constant 0 : i32
      %dma_start3A_47 = arith.constant 0 : i32
      %dma_start3A_48 = tpu.memref_slice %arg3[%add3A_1, %arg1, %dma_start3A_46, %dma_start3A_47] : memref<4x16x158x128xi32, #tpu.memory_space<hbm>> -> memref<1x1x158x128xi32, #tpu.memory_space<hbm>>
      %dma_start3A_49 = tpu.memref_squeeze %dma_start3A_48 : memref<1x1x158x128xi32, #tpu.memory_space<hbm>> -> memref<158x128xi32, #tpu.memory_space<hbm>>
      %dma_start3A_50 = arith.constant 0 : i32
      %dma_start3A_51 = arith.constant 0 : i32
      %dma_start3A_52 = tpu.memref_slice %arg3[%add3A_1, %arg1, %dma_start3A_50, %dma_start3A_51] : memref<4x16x158x128xi32, #tpu.memory_space<hbm>> -> memref<1x1x158x128xi32, #tpu.memory_space<hbm>>
      %dma_start3A_53 = tpu.memref_squeeze %dma_start3A_52 : memref<1x1x158x128xi32, #tpu.memory_space<hbm>> -> memref<158x128xi32, #tpu.memory_space<hbm>>
      tpu.enqueue_dma source(%dma_start3A_53 : memref<158x128xi32, #tpu.memory_space<hbm>>) target(%arg8 : memref<158x128xi32, #tpu.memory_space<vmem>>) target_semaphore(%run_scoped3A : memref<!tpu.dma_semaphore, #tpu.memory_space<semaphore_mem>>)
      %dma_wait3A = arith.constant 0 : i32
      %dma_wait3A_54 = arith.constant 0 : i32
      %dma_wait3A_55 = tpu.memref_slice %arg3[%add3A_1, %arg1, %dma_wait3A, %dma_wait3A_54] : memref<4x16x158x128xi32, #tpu.memory_space<hbm>> -> memref<1x1x158x128xi32, #tpu.memory_space<hbm>>
      %dma_wait3A_56 = tpu.memref_squeeze %dma_wait3A_55 : memref<1x1x158x128xi32, #tpu.memory_space<hbm>> -> memref<158x128xi32, #tpu.memory_space<hbm>>
      %dma_wait3A_57 = arith.constant 0 : i32
      %dma_wait3A_58 = arith.constant 0 : i32
      %dma_wait3A_59 = tpu.memref_slice %arg3[%add3A_1, %arg1, %dma_wait3A_57, %dma_wait3A_58] : memref<4x16x158x128xi32, #tpu.memory_space<hbm>> -> memref<1x1x158x128xi32, #tpu.memory_space<hbm>>
      %dma_wait3A_60 = tpu.memref_squeeze %dma_wait3A_59 : memref<1x1x158x128xi32, #tpu.memory_space<hbm>> -> memref<158x128xi32, #tpu.memory_space<hbm>>
      tpu.wait_dma2 semaphore(%run_scoped3A : memref<!tpu.dma_semaphore, #tpu.memory_space<semaphore_mem>>) src(%dma_wait3A_60 : memref<158x128xi32, #tpu.memory_space<hbm>>) dst(%arg8 : memref<158x128xi32, #tpu.memory_space<vmem>>)
      tpu.yield
    }) : () -> ()
    %barrier3A = arith.constant 0 : index
    tpu.barrier barrier_id(%barrier3A)
    %dma_start3A = arith.constant 0 : i32
    %dma_start3A_4 = arith.constant 0 : i32
    %dma_start3A_5 = tpu.memref_slice %arg8[%dma_start3A, %dma_start3A_4] : memref<158x128xi32, #tpu.memory_space<vmem>> -> memref<1x128xi32, #tpu.memory_space<vmem>>
    %dma_start3A_6 = tpu.memref_squeeze %dma_start3A_5 : memref<1x128xi32, #tpu.memory_space<vmem>> -> memref<128xi32, #tpu.memory_space<vmem>>
    %dma_start3A_7 = arith.constant 0 : i32
    %dma_start3A_8 = arith.constant 0 : i32
    %dma_start3A_9 = tpu.memref_slice %arg2[%dma_start3A_7, %dma_start3A_8] : memref<40960x96xf32, #tpu.memory_space<hbm>> -> memref<40960x96xf32, #tpu.memory_space<hbm>>
    tpu.enqueue_indirect_dma source(%dma_start3A_9 : memref<40960x96xf32, #tpu.memory_space<hbm>>) target(%arg10 : memref<128x96xf32, #tpu.memory_space<vmem>>) offsets(%dma_start3A_6 : memref<128xi32, #tpu.memory_space<vmem>>) semaphore(%arg12 : memref<!tpu.dma_semaphore, #tpu.memory_space<semaphore_mem>>)
    %scan3A = arith.constant 0 : i32
    %scan3A_10 = arith.constant 0 : i32
    %scan3A_11 = arith.constant 79 : i32
    %scan3A_12 = arith.addi %scan3A_10, %scan3A_11 : i32
    %scan3A_13 = arith.constant 1 : i32
    scf.for %scan3A_46 = %scan3A_10 to %scan3A_12 step %scan3A_13  : i32 {
      %mul3A_47 = arith.constant 2 : i32
      %mul3A_48 = arith.muli %mul3A_47, %scan3A_46 : i32
      %add3A_49 = arith.constant 1 : i32
      %add3A_50 = arith.addi %mul3A_48, %add3A_49 : i32
      %dma_start3A_51 = arith.constant 0 : i32
      %dma_start3A_52 = tpu.memref_slice %arg8[%add3A_50, %dma_start3A_51] : memref<158x128xi32, #tpu.memory_space<vmem>> -> memref<1x128xi32, #tpu.memory_space<vmem>>
      %dma_start3A_53 = tpu.memref_squeeze %dma_start3A_52 : memref<1x128xi32, #tpu.memory_space<vmem>> -> memref<128xi32, #tpu.memory_space<vmem>>
      %dma_start3A_54 = arith.constant 0 : i32
      %dma_start3A_55 = arith.constant 0 : i32
      %dma_start3A_56 = tpu.memref_slice %arg2[%dma_start3A_54, %dma_start3A_55] : memref<40960x96xf32, #tpu.memory_space<hbm>> -> memref<40960x96xf32, #tpu.memory_space<hbm>>
      tpu.enqueue_indirect_dma source(%dma_start3A_56 : memref<40960x96xf32, #tpu.memory_space<hbm>>) target(%arg11 : memref<128x96xf32, #tpu.memory_space<vmem>>) offsets(%dma_start3A_53 : memref<128xi32, #tpu.memory_space<vmem>>) semaphore(%arg13 : memref<!tpu.dma_semaphore, #tpu.memory_space<semaphore_mem>>)
      %dma_wait3A = arith.constant 0 : i32
      %dma_wait3A_57 = tpu.memref_slice %arg8[%mul3A_48, %dma_wait3A] : memref<158x128xi32, #tpu.memory_space<vmem>> -> memref<1x128xi32, #tpu.memory_space<vmem>>
      %dma_wait3A_58 = tpu.memref_squeeze %dma_wait3A_57 : memref<1x128xi32, #tpu.memory_space<vmem>> -> memref<128xi32, #tpu.memory_space<vmem>>
      %dma_wait3A_59 = arith.constant 0 : i32
      %dma_wait3A_60 = arith.constant 0 : i32
      %dma_wait3A_61 = tpu.memref_slice %arg2[%dma_wait3A_59, %dma_wait3A_60] : memref<40960x96xf32, #tpu.memory_space<hbm>> -> memref<40960x96xf32, #tpu.memory_space<hbm>>
      tpu.wait_indirect_dma semaphore(%arg12 : memref<!tpu.dma_semaphore, #tpu.memory_space<semaphore_mem>>) src(%dma_wait3A_61 : memref<40960x96xf32, #tpu.memory_space<hbm>>) dst(%arg10 : memref<128x96xf32, #tpu.memory_space<vmem>>)
      "tpu.region"() ({
        %run_scoped3A = tpu.sem_alloc : memref<!tpu.dma_semaphore, #tpu.memory_space<semaphore_mem>>
        %dma_start3A_74 = arith.constant 0 : i32
        %dma_start3A_75 = tpu.memref_slice %arg9[%mul3A_48, %dma_start3A_74] : memref<158x128xi32, #tpu.memory_space<vmem>> -> memref<1x128xi32, #tpu.memory_space<vmem>>
        %dma_start3A_76 = tpu.memref_squeeze %dma_start3A_75 : memref<1x128xi32, #tpu.memory_space<vmem>> -> memref<128xi32, #tpu.memory_space<vmem>>
        %dma_start3A_77 = arith.constant 0 : i32
        %dma_start3A_78 = arith.constant 0 : i32
        %dma_start3A_79 = tpu.memref_slice %arg7[%dma_start3A_77, %dma_start3A_78] : memref<10240x96xf32, #tpu.memory_space<vmem_shared>> -> memref<10240x96xf32, #tpu.memory_space<vmem_shared>>
        tpu.enqueue_indirect_dma source(%arg10 : memref<128x96xf32, #tpu.memory_space<vmem>>) target(%dma_start3A_79 : memref<10240x96xf32, #tpu.memory_space<vmem_shared>>) offsets(%dma_start3A_76 : memref<128xi32, #tpu.memory_space<vmem>>) semaphore(%run_scoped3A : memref<!tpu.dma_semaphore, #tpu.memory_space<semaphore_mem>>) {add = true}
        %dma_wait3A_80 = arith.constant 0 : i32
        %dma_wait3A_81 = tpu.memref_slice %arg9[%mul3A_48, %dma_wait3A_80] : memref<158x128xi32, #tpu.memory_space<vmem>> -> memref<1x128xi32, #tpu.memory_space<vmem>>
        %dma_wait3A_82 = tpu.memref_squeeze %dma_wait3A_81 : memref<1x128xi32, #tpu.memory_space<vmem>> -> memref<128xi32, #tpu.memory_space<vmem>>
        %dma_wait3A_83 = arith.constant 0 : i32
        %dma_wait3A_84 = arith.constant 0 : i32
        %dma_wait3A_85 = tpu.memref_slice %arg7[%dma_wait3A_83, %dma_wait3A_84] : memref<10240x96xf32, #tpu.memory_space<vmem_shared>> -> memref<10240x96xf32, #tpu.memory_space<vmem_shared>>
        tpu.wait_indirect_dma semaphore(%run_scoped3A : memref<!tpu.dma_semaphore, #tpu.memory_space<semaphore_mem>>) src(%arg10 : memref<128x96xf32, #tpu.memory_space<vmem>>) dst(%dma_wait3A_85 : memref<10240x96xf32, #tpu.memory_space<vmem_shared>>)
        tpu.yield
      }) : () -> ()
      %lt3A = arith.constant 78 : i32
      %lt3A_62 = arith.cmpi slt, %scan3A_46, %lt3A : i32
      %convert_element_type3A = arith.extui %lt3A_62 : i1 to i32
      %cond3A = arith.constant 0 : i32
      %cond3A_63 = arith.cmpi ne, %convert_element_type3A, %cond3A : i32
      scf.if %cond3A_63 {
        %add3A_74 = arith.constant 2 : i32
        %add3A_75 = arith.addi %mul3A_48, %add3A_74 : i32
        %dma_start3A_76 = arith.constant 0 : i32
        %dma_start3A_77 = tpu.memref_slice %arg8[%add3A_75, %dma_start3A_76] : memref<158x128xi32, #tpu.memory_space<vmem>> -> memref<1x128xi32, #tpu.memory_space<vmem>>
        %dma_start3A_78 = tpu.memref_squeeze %dma_start3A_77 : memref<1x128xi32, #tpu.memory_space<vmem>> -> memref<128xi32, #tpu.memory_space<vmem>>
        %dma_start3A_79 = arith.constant 0 : i32
        %dma_start3A_80 = arith.constant 0 : i32
        %dma_start3A_81 = tpu.memref_slice %arg2[%dma_start3A_79, %dma_start3A_80] : memref<40960x96xf32, #tpu.memory_space<hbm>> -> memref<40960x96xf32, #tpu.memory_space<hbm>>
        tpu.enqueue_indirect_dma source(%dma_start3A_81 : memref<40960x96xf32, #tpu.memory_space<hbm>>) target(%arg10 : memref<128x96xf32, #tpu.memory_space<vmem>>) offsets(%dma_start3A_78 : memref<128xi32, #tpu.memory_space<vmem>>) semaphore(%arg12 : memref<!tpu.dma_semaphore, #tpu.memory_space<semaphore_mem>>)
      } else {
      }
      %add3A_64 = arith.constant 1 : i32
      %add3A_65 = arith.addi %mul3A_48, %add3A_64 : i32
      %dma_wait3A_66 = arith.constant 0 : i32
      %dma_wait3A_67 = tpu.memref_slice %arg8[%add3A_65, %dma_wait3A_66] : memref<158x128xi32, #tpu.memory_space<vmem>> -> memref<1x128xi32, #tpu.memory_space<vmem>>
      %dma_wait3A_68 = tpu.memref_squeeze %dma_wait3A_67 : memref<1x128xi32, #tpu.memory_space<vmem>> -> memref<128xi32, #tpu.memory_space<vmem>>
      %dma_wait3A_69 = arith.constant 0 : i32
      %dma_wait3A_70 = arith.constant 0 : i32
      %dma_wait3A_71 = tpu.memref_slice %arg2[%dma_wait3A_69, %dma_wait3A_70] : memref<40960x96xf32, #tpu.memory_space<hbm>> -> memref<40960x96xf32, #tpu.memory_space<hbm>>
      tpu.wait_indirect_dma semaphore(%arg13 : memref<!tpu.dma_semaphore, #tpu.memory_space<semaphore_mem>>) src(%dma_wait3A_71 : memref<40960x96xf32, #tpu.memory_space<hbm>>) dst(%arg11 : memref<128x96xf32, #tpu.memory_space<vmem>>)
      %add3A_72 = arith.constant 1 : i32
      %add3A_73 = arith.addi %mul3A_48, %add3A_72 : i32
      "tpu.region"() ({
        %run_scoped3A = tpu.sem_alloc : memref<!tpu.dma_semaphore, #tpu.memory_space<semaphore_mem>>
        %dma_start3A_74 = arith.constant 0 : i32
        %dma_start3A_75 = tpu.memref_slice %arg9[%add3A_73, %dma_start3A_74] : memref<158x128xi32, #tpu.memory_space<vmem>> -> memref<1x128xi32, #tpu.memory_space<vmem>>
        %dma_start3A_76 = tpu.memref_squeeze %dma_start3A_75 : memref<1x128xi32, #tpu.memory_space<vmem>> -> memref<128xi32, #tpu.memory_space<vmem>>
        %dma_start3A_77 = arith.constant 0 : i32
        %dma_start3A_78 = arith.constant 0 : i32
        %dma_start3A_79 = tpu.memref_slice %arg7[%dma_start3A_77, %dma_start3A_78] : memref<10240x96xf32, #tpu.memory_space<vmem_shared>> -> memref<10240x96xf32, #tpu.memory_space<vmem_shared>>
        tpu.enqueue_indirect_dma source(%arg11 : memref<128x96xf32, #tpu.memory_space<vmem>>) target(%dma_start3A_79 : memref<10240x96xf32, #tpu.memory_space<vmem_shared>>) offsets(%dma_start3A_76 : memref<128xi32, #tpu.memory_space<vmem>>) semaphore(%run_scoped3A : memref<!tpu.dma_semaphore, #tpu.memory_space<semaphore_mem>>) {add = true}
        %dma_wait3A_80 = arith.constant 0 : i32
        %dma_wait3A_81 = tpu.memref_slice %arg9[%add3A_73, %dma_wait3A_80] : memref<158x128xi32, #tpu.memory_space<vmem>> -> memref<1x128xi32, #tpu.memory_space<vmem>>
        %dma_wait3A_82 = tpu.memref_squeeze %dma_wait3A_81 : memref<1x128xi32, #tpu.memory_space<vmem>> -> memref<128xi32, #tpu.memory_space<vmem>>
        %dma_wait3A_83 = arith.constant 0 : i32
        %dma_wait3A_84 = arith.constant 0 : i32
        %dma_wait3A_85 = tpu.memref_slice %arg7[%dma_wait3A_83, %dma_wait3A_84] : memref<10240x96xf32, #tpu.memory_space<vmem_shared>> -> memref<10240x96xf32, #tpu.memory_space<vmem_shared>>
        tpu.wait_indirect_dma semaphore(%run_scoped3A : memref<!tpu.dma_semaphore, #tpu.memory_space<semaphore_mem>>) src(%arg11 : memref<128x96xf32, #tpu.memory_space<vmem>>) dst(%dma_wait3A_85 : memref<10240x96xf32, #tpu.memory_space<vmem_shared>>)
        tpu.yield
      }) : () -> ()
    }
    %scan3A_14 = arith.constant 79 : i32
    %barrier3A_15 = arith.constant 0 : index
    tpu.barrier barrier_id(%barrier3A_15)
    %mul3A_16 = arith.constant 640 : i32
    %mul3A_17 = arith.muli %arg1, %mul3A_16 : i32
    %mul3A_18 = arith.constant 640 : i32
    %mul3A_19 = arith.muli %arg1, %mul3A_18 : i32
    "tpu.region"() ({
      %run_scoped3A = tpu.sem_alloc : memref<!tpu.dma_semaphore, #tpu.memory_space<semaphore_mem>>
      %dma_start3A_46 = arith.constant 0 : i32
      %dma_start3A_47 = tpu.memref_slice %arg6[%mul3A_19, %add3A_1, %dma_start3A_46] : memref<10240x4x96xf32, #tpu.memory_space<hbm>> -> memref<640x1x96xf32, #tpu.memory_space<hbm>>
      %dma_start3A_48 = tpu.memref_squeeze %dma_start3A_47 : memref<640x1x96xf32, #tpu.memory_space<hbm>> -> memref<640x96xf32, #tpu.memory_space<hbm>>
      %dma_start3A_49 = arith.constant 0 : i32
      %dma_start3A_50 = tpu.memref_slice %arg7[%mul3A_17, %dma_start3A_49] : memref<10240x96xf32, #tpu.memory_space<vmem_shared>> -> memref<640x96xf32, #tpu.memory_space<vmem_shared>>
      tpu.enqueue_dma source(%dma_start3A_50 : memref<640x96xf32, #tpu.memory_space<vmem_shared>>) target(%dma_start3A_48 : memref<640x96xf32, #tpu.memory_space<hbm>>) target_semaphore(%run_scoped3A : memref<!tpu.dma_semaphore, #tpu.memory_space<semaphore_mem>>)
      %dma_wait3A = arith.constant 0 : i32
      %dma_wait3A_51 = tpu.memref_slice %arg6[%mul3A_19, %add3A_1, %dma_wait3A] : memref<10240x4x96xf32, #tpu.memory_space<hbm>> -> memref<640x1x96xf32, #tpu.memory_space<hbm>>
      %dma_wait3A_52 = tpu.memref_squeeze %dma_wait3A_51 : memref<640x1x96xf32, #tpu.memory_space<hbm>> -> memref<640x96xf32, #tpu.memory_space<hbm>>
      %dma_wait3A_53 = arith.constant 0 : i32
      %dma_wait3A_54 = tpu.memref_slice %arg7[%mul3A_17, %dma_wait3A_53] : memref<10240x96xf32, #tpu.memory_space<vmem_shared>> -> memref<640x96xf32, #tpu.memory_space<vmem_shared>>
      tpu.wait_dma2 semaphore(%run_scoped3A : memref<!tpu.dma_semaphore, #tpu.memory_space<semaphore_mem>>) src(%dma_wait3A_54 : memref<640x96xf32, #tpu.memory_space<vmem_shared>>) dst(%dma_wait3A_52 : memref<640x96xf32, #tpu.memory_space<hbm>>)
      tpu.yield
    }) : () -> ()
    %barrier3A_20 = arith.constant 0 : index
    tpu.barrier barrier_id(%barrier3A_20)
    %mul3A_21 = arith.constant 2 : i32
    %mul3A_22 = arith.muli %arg0, %mul3A_21 : i32
    %add3A_23 = arith.constant 1 : i32
    %add3A_24 = arith.addi %mul3A_22, %add3A_23 : i32
    %mul3A_25 = arith.constant 640 : i32
    %mul3A_26 = arith.muli %arg1, %mul3A_25 : i32
    "tpu.region"() ({
      %run_scoped3A = tpu.sem_alloc : memref<!tpu.dma_semaphore, #tpu.memory_space<semaphore_mem>>
      %dma_start3A_46 = arith.constant 0 : i32
      %dma_start3A_47 = tpu.memref_slice %arg7[%mul3A_26, %dma_start3A_46] : memref<10240x96xf32, #tpu.memory_space<vmem_shared>> -> memref<640x96xf32, #tpu.memory_space<vmem_shared>>
      tpu.enqueue_dma source(%arg5 : memref<640x96xf32, #tpu.memory_space<hbm>>) target(%dma_start3A_47 : memref<640x96xf32, #tpu.memory_space<vmem_shared>>) target_semaphore(%run_scoped3A : memref<!tpu.dma_semaphore, #tpu.memory_space<semaphore_mem>>)
      %dma_wait3A = arith.constant 0 : i32
      %dma_wait3A_48 = tpu.memref_slice %arg7[%mul3A_26, %dma_wait3A] : memref<10240x96xf32, #tpu.memory_space<vmem_shared>> -> memref<640x96xf32, #tpu.memory_space<vmem_shared>>
      tpu.wait_dma2 semaphore(%run_scoped3A : memref<!tpu.dma_semaphore, #tpu.memory_space<semaphore_mem>>) src(%arg5 : memref<640x96xf32, #tpu.memory_space<hbm>>) dst(%dma_wait3A_48 : memref<640x96xf32, #tpu.memory_space<vmem_shared>>)
      tpu.yield
    }) : () -> ()
    "tpu.region"() ({
      %run_scoped3A = tpu.sem_alloc : memref<!tpu.dma_semaphore, #tpu.memory_space<semaphore_mem>>
      %dma_start3A_46 = arith.constant 0 : i32
      %dma_start3A_47 = arith.constant 0 : i32
      %dma_start3A_48 = tpu.memref_slice %arg3[%add3A_24, %arg1, %dma_start3A_46, %dma_start3A_47] : memref<4x16x158x128xi32, #tpu.memory_space<hbm>> -> memref<1x1x158x128xi32, #tpu.memory_space<hbm>>
      %dma_start3A_49 = tpu.memref_squeeze %dma_start3A_48 : memref<1x1x158x128xi32, #tpu.memory_space<hbm>> -> memref<158x128xi32, #tpu.memory_space<hbm>>
      %dma_start3A_50 = arith.constant 0 : i32
      %dma_start3A_51 = arith.constant 0 : i32
      %dma_start3A_52 = tpu.memref_slice %arg3[%add3A_24, %arg1, %dma_start3A_50, %dma_start3A_51] : memref<4x16x158x128xi32, #tpu.memory_space<hbm>> -> memref<1x1x158x128xi32, #tpu.memory_space<hbm>>
      %dma_start3A_53 = tpu.memref_squeeze %dma_start3A_52 : memref<1x1x158x128xi32, #tpu.memory_space<hbm>> -> memref<158x128xi32, #tpu.memory_space<hbm>>
      tpu.enqueue_dma source(%dma_start3A_53 : memref<158x128xi32, #tpu.memory_space<hbm>>) target(%arg8 : memref<158x128xi32, #tpu.memory_space<vmem>>) target_semaphore(%run_scoped3A : memref<!tpu.dma_semaphore, #tpu.memory_space<semaphore_mem>>)
      %dma_wait3A = arith.constant 0 : i32
      %dma_wait3A_54 = arith.constant 0 : i32
      %dma_wait3A_55 = tpu.memref_slice %arg3[%add3A_24, %arg1, %dma_wait3A, %dma_wait3A_54] : memref<4x16x158x128xi32, #tpu.memory_space<hbm>> -> memref<1x1x158x128xi32, #tpu.memory_space<hbm>>
      %dma_wait3A_56 = tpu.memref_squeeze %dma_wait3A_55 : memref<1x1x158x128xi32, #tpu.memory_space<hbm>> -> memref<158x128xi32, #tpu.memory_space<hbm>>
      %dma_wait3A_57 = arith.constant 0 : i32
      %dma_wait3A_58 = arith.constant 0 : i32
      %dma_wait3A_59 = tpu.memref_slice %arg3[%add3A_24, %arg1, %dma_wait3A_57, %dma_wait3A_58] : memref<4x16x158x128xi32, #tpu.memory_space<hbm>> -> memref<1x1x158x128xi32, #tpu.memory_space<hbm>>
      %dma_wait3A_60 = tpu.memref_squeeze %dma_wait3A_59 : memref<1x1x158x128xi32, #tpu.memory_space<hbm>> -> memref<158x128xi32, #tpu.memory_space<hbm>>
      tpu.wait_dma2 semaphore(%run_scoped3A : memref<!tpu.dma_semaphore, #tpu.memory_space<semaphore_mem>>) src(%dma_wait3A_60 : memref<158x128xi32, #tpu.memory_space<hbm>>) dst(%arg8 : memref<158x128xi32, #tpu.memory_space<vmem>>)
      tpu.yield
    }) : () -> ()
    %barrier3A_27 = arith.constant 0 : index
    tpu.barrier barrier_id(%barrier3A_27)
    %dma_start3A_28 = arith.constant 0 : i32
    %dma_start3A_29 = arith.constant 0 : i32
    %dma_start3A_30 = tpu.memref_slice %arg8[%dma_start3A_28, %dma_start3A_29] : memref<158x128xi32, #tpu.memory_space<vmem>> -> memref<1x128xi32, #tpu.memory_space<vmem>>
    %dma_start3A_31 = tpu.memref_squeeze %dma_start3A_30 : memref<1x128xi32, #tpu.memory_space<vmem>> -> memref<128xi32, #tpu.memory_space<vmem>>
    %dma_start3A_32 = arith.constant 0 : i32
    %dma_start3A_33 = arith.constant 0 : i32
    %dma_start3A_34 = tpu.memref_slice %arg2[%dma_start3A_32, %dma_start3A_33] : memref<40960x96xf32, #tpu.memory_space<hbm>> -> memref<40960x96xf32, #tpu.memory_space<hbm>>
    tpu.enqueue_indirect_dma source(%dma_start3A_34 : memref<40960x96xf32, #tpu.memory_space<hbm>>) target(%arg10 : memref<128x96xf32, #tpu.memory_space<vmem>>) offsets(%dma_start3A_31 : memref<128xi32, #tpu.memory_space<vmem>>) semaphore(%arg12 : memref<!tpu.dma_semaphore, #tpu.memory_space<semaphore_mem>>)
    %scan3A_35 = arith.constant 0 : i32
    %scan3A_36 = arith.constant 0 : i32
    %scan3A_37 = arith.constant 79 : i32
    %scan3A_38 = arith.addi %scan3A_36, %scan3A_37 : i32
    %scan3A_39 = arith.constant 1 : i32
    scf.for %scan3A_46 = %scan3A_36 to %scan3A_38 step %scan3A_39  : i32 {
      %mul3A_47 = arith.constant 2 : i32
      %mul3A_48 = arith.muli %mul3A_47, %scan3A_46 : i32
      %add3A_49 = arith.constant 1 : i32
      %add3A_50 = arith.addi %mul3A_48, %add3A_49 : i32
      %dma_start3A_51 = arith.constant 0 : i32
      %dma_start3A_52 = tpu.memref_slice %arg8[%add3A_50, %dma_start3A_51] : memref<158x128xi32, #tpu.memory_space<vmem>> -> memref<1x128xi32, #tpu.memory_space<vmem>>
      %dma_start3A_53 = tpu.memref_squeeze %dma_start3A_52 : memref<1x128xi32, #tpu.memory_space<vmem>> -> memref<128xi32, #tpu.memory_space<vmem>>
      %dma_start3A_54 = arith.constant 0 : i32
      %dma_start3A_55 = arith.constant 0 : i32
      %dma_start3A_56 = tpu.memref_slice %arg2[%dma_start3A_54, %dma_start3A_55] : memref<40960x96xf32, #tpu.memory_space<hbm>> -> memref<40960x96xf32, #tpu.memory_space<hbm>>
      tpu.enqueue_indirect_dma source(%dma_start3A_56 : memref<40960x96xf32, #tpu.memory_space<hbm>>) target(%arg11 : memref<128x96xf32, #tpu.memory_space<vmem>>) offsets(%dma_start3A_53 : memref<128xi32, #tpu.memory_space<vmem>>) semaphore(%arg13 : memref<!tpu.dma_semaphore, #tpu.memory_space<semaphore_mem>>)
      %dma_wait3A = arith.constant 0 : i32
      %dma_wait3A_57 = tpu.memref_slice %arg8[%mul3A_48, %dma_wait3A] : memref<158x128xi32, #tpu.memory_space<vmem>> -> memref<1x128xi32, #tpu.memory_space<vmem>>
      %dma_wait3A_58 = tpu.memref_squeeze %dma_wait3A_57 : memref<1x128xi32, #tpu.memory_space<vmem>> -> memref<128xi32, #tpu.memory_space<vmem>>
      %dma_wait3A_59 = arith.constant 0 : i32
      %dma_wait3A_60 = arith.constant 0 : i32
      %dma_wait3A_61 = tpu.memref_slice %arg2[%dma_wait3A_59, %dma_wait3A_60] : memref<40960x96xf32, #tpu.memory_space<hbm>> -> memref<40960x96xf32, #tpu.memory_space<hbm>>
      tpu.wait_indirect_dma semaphore(%arg12 : memref<!tpu.dma_semaphore, #tpu.memory_space<semaphore_mem>>) src(%dma_wait3A_61 : memref<40960x96xf32, #tpu.memory_space<hbm>>) dst(%arg10 : memref<128x96xf32, #tpu.memory_space<vmem>>)
      "tpu.region"() ({
        %run_scoped3A = tpu.sem_alloc : memref<!tpu.dma_semaphore, #tpu.memory_space<semaphore_mem>>
        %dma_start3A_74 = arith.constant 0 : i32
        %dma_start3A_75 = tpu.memref_slice %arg9[%mul3A_48, %dma_start3A_74] : memref<158x128xi32, #tpu.memory_space<vmem>> -> memref<1x128xi32, #tpu.memory_space<vmem>>
        %dma_start3A_76 = tpu.memref_squeeze %dma_start3A_75 : memref<1x128xi32, #tpu.memory_space<vmem>> -> memref<128xi32, #tpu.memory_space<vmem>>
        %dma_start3A_77 = arith.constant 0 : i32
        %dma_start3A_78 = arith.constant 0 : i32
        %dma_start3A_79 = tpu.memref_slice %arg7[%dma_start3A_77, %dma_start3A_78] : memref<10240x96xf32, #tpu.memory_space<vmem_shared>> -> memref<10240x96xf32, #tpu.memory_space<vmem_shared>>
        tpu.enqueue_indirect_dma source(%arg10 : memref<128x96xf32, #tpu.memory_space<vmem>>) target(%dma_start3A_79 : memref<10240x96xf32, #tpu.memory_space<vmem_shared>>) offsets(%dma_start3A_76 : memref<128xi32, #tpu.memory_space<vmem>>) semaphore(%run_scoped3A : memref<!tpu.dma_semaphore, #tpu.memory_space<semaphore_mem>>) {add = true}
        %dma_wait3A_80 = arith.constant 0 : i32
        %dma_wait3A_81 = tpu.memref_slice %arg9[%mul3A_48, %dma_wait3A_80] : memref<158x128xi32, #tpu.memory_space<vmem>> -> memref<1x128xi32, #tpu.memory_space<vmem>>
        %dma_wait3A_82 = tpu.memref_squeeze %dma_wait3A_81 : memref<1x128xi32, #tpu.memory_space<vmem>> -> memref<128xi32, #tpu.memory_space<vmem>>
        %dma_wait3A_83 = arith.constant 0 : i32
        %dma_wait3A_84 = arith.constant 0 : i32
        %dma_wait3A_85 = tpu.memref_slice %arg7[%dma_wait3A_83, %dma_wait3A_84] : memref<10240x96xf32, #tpu.memory_space<vmem_shared>> -> memref<10240x96xf32, #tpu.memory_space<vmem_shared>>
        tpu.wait_indirect_dma semaphore(%run_scoped3A : memref<!tpu.dma_semaphore, #tpu.memory_space<semaphore_mem>>) src(%arg10 : memref<128x96xf32, #tpu.memory_space<vmem>>) dst(%dma_wait3A_85 : memref<10240x96xf32, #tpu.memory_space<vmem_shared>>)
        tpu.yield
      }) : () -> ()
      %lt3A = arith.constant 78 : i32
      %lt3A_62 = arith.cmpi slt, %scan3A_46, %lt3A : i32
      %convert_element_type3A = arith.extui %lt3A_62 : i1 to i32
      %cond3A = arith.constant 0 : i32
      %cond3A_63 = arith.cmpi ne, %convert_element_type3A, %cond3A : i32
      scf.if %cond3A_63 {
        %add3A_74 = arith.constant 2 : i32
        %add3A_75 = arith.addi %mul3A_48, %add3A_74 : i32
        %dma_start3A_76 = arith.constant 0 : i32
        %dma_start3A_77 = tpu.memref_slice %arg8[%add3A_75, %dma_start3A_76] : memref<158x128xi32, #tpu.memory_space<vmem>> -> memref<1x128xi32, #tpu.memory_space<vmem>>
        %dma_start3A_78 = tpu.memref_squeeze %dma_start3A_77 : memref<1x128xi32, #tpu.memory_space<vmem>> -> memref<128xi32, #tpu.memory_space<vmem>>
        %dma_start3A_79 = arith.constant 0 : i32
        %dma_start3A_80 = arith.constant 0 : i32
        %dma_start3A_81 = tpu.memref_slice %arg2[%dma_start3A_79, %dma_start3A_80] : memref<40960x96xf32, #tpu.memory_space<hbm>> -> memref<40960x96xf32, #tpu.memory_space<hbm>>
        tpu.enqueue_indirect_dma source(%dma_start3A_81 : memref<40960x96xf32, #tpu.memory_space<hbm>>) target(%arg10 : memref<128x96xf32, #tpu.memory_space<vmem>>) offsets(%dma_start3A_78 : memref<128xi32, #tpu.memory_space<vmem>>) semaphore(%arg12 : memref<!tpu.dma_semaphore, #tpu.memory_space<semaphore_mem>>)
      } else {
      }
      %add3A_64 = arith.constant 1 : i32
      %add3A_65 = arith.addi %mul3A_48, %add3A_64 : i32
      %dma_wait3A_66 = arith.constant 0 : i32
      %dma_wait3A_67 = tpu.memref_slice %arg8[%add3A_65, %dma_wait3A_66] : memref<158x128xi32, #tpu.memory_space<vmem>> -> memref<1x128xi32, #tpu.memory_space<vmem>>
      %dma_wait3A_68 = tpu.memref_squeeze %dma_wait3A_67 : memref<1x128xi32, #tpu.memory_space<vmem>> -> memref<128xi32, #tpu.memory_space<vmem>>
      %dma_wait3A_69 = arith.constant 0 : i32
      %dma_wait3A_70 = arith.constant 0 : i32
      %dma_wait3A_71 = tpu.memref_slice %arg2[%dma_wait3A_69, %dma_wait3A_70] : memref<40960x96xf32, #tpu.memory_space<hbm>> -> memref<40960x96xf32, #tpu.memory_space<hbm>>
      tpu.wait_indirect_dma semaphore(%arg13 : memref<!tpu.dma_semaphore, #tpu.memory_space<semaphore_mem>>) src(%dma_wait3A_71 : memref<40960x96xf32, #tpu.memory_space<hbm>>) dst(%arg11 : memref<128x96xf32, #tpu.memory_space<vmem>>)
      %add3A_72 = arith.constant 1 : i32
      %add3A_73 = arith.addi %mul3A_48, %add3A_72 : i32
      "tpu.region"() ({
        %run_scoped3A = tpu.sem_alloc : memref<!tpu.dma_semaphore, #tpu.memory_space<semaphore_mem>>
        %dma_start3A_74 = arith.constant 0 : i32
        %dma_start3A_75 = tpu.memref_slice %arg9[%add3A_73, %dma_start3A_74] : memref<158x128xi32, #tpu.memory_space<vmem>> -> memref<1x128xi32, #tpu.memory_space<vmem>>
        %dma_start3A_76 = tpu.memref_squeeze %dma_start3A_75 : memref<1x128xi32, #tpu.memory_space<vmem>> -> memref<128xi32, #tpu.memory_space<vmem>>
        %dma_start3A_77 = arith.constant 0 : i32
        %dma_start3A_78 = arith.constant 0 : i32
        %dma_start3A_79 = tpu.memref_slice %arg7[%dma_start3A_77, %dma_start3A_78] : memref<10240x96xf32, #tpu.memory_space<vmem_shared>> -> memref<10240x96xf32, #tpu.memory_space<vmem_shared>>
        tpu.enqueue_indirect_dma source(%arg11 : memref<128x96xf32, #tpu.memory_space<vmem>>) target(%dma_start3A_79 : memref<10240x96xf32, #tpu.memory_space<vmem_shared>>) offsets(%dma_start3A_76 : memref<128xi32, #tpu.memory_space<vmem>>) semaphore(%run_scoped3A : memref<!tpu.dma_semaphore, #tpu.memory_space<semaphore_mem>>) {add = true}
        %dma_wait3A_80 = arith.constant 0 : i32
        %dma_wait3A_81 = tpu.memref_slice %arg9[%add3A_73, %dma_wait3A_80] : memref<158x128xi32, #tpu.memory_space<vmem>> -> memref<1x128xi32, #tpu.memory_space<vmem>>
        %dma_wait3A_82 = tpu.memref_squeeze %dma_wait3A_81 : memref<1x128xi32, #tpu.memory_space<vmem>> -> memref<128xi32, #tpu.memory_space<vmem>>
        %dma_wait3A_83 = arith.constant 0 : i32
        %dma_wait3A_84 = arith.constant 0 : i32
        %dma_wait3A_85 = tpu.memref_slice %arg7[%dma_wait3A_83, %dma_wait3A_84] : memref<10240x96xf32, #tpu.memory_space<vmem_shared>> -> memref<10240x96xf32, #tpu.memory_space<vmem_shared>>
        tpu.wait_indirect_dma semaphore(%run_scoped3A : memref<!tpu.dma_semaphore, #tpu.memory_space<semaphore_mem>>) src(%arg11 : memref<128x96xf32, #tpu.memory_space<vmem>>) dst(%dma_wait3A_85 : memref<10240x96xf32, #tpu.memory_space<vmem_shared>>)
        tpu.yield
      }) : () -> ()
    }
    %scan3A_40 = arith.constant 79 : i32
    %barrier3A_41 = arith.constant 0 : index
    tpu.barrier barrier_id(%barrier3A_41)
    %mul3A_42 = arith.constant 640 : i32
    %mul3A_43 = arith.muli %arg1, %mul3A_42 : i32
    %mul3A_44 = arith.constant 640 : i32
    %mul3A_45 = arith.muli %arg1, %mul3A_44 : i32
    "tpu.region"() ({
      %run_scoped3A = tpu.sem_alloc : memref<!tpu.dma_semaphore, #tpu.memory_space<semaphore_mem>>
      %dma_start3A_46 = arith.constant 0 : i32
      %dma_start3A_47 = tpu.memref_slice %arg6[%mul3A_45, %add3A_24, %dma_start3A_46] : memref<10240x4x96xf32, #tpu.memory_space<hbm>> -> memref<640x1x96xf32, #tpu.memory_space<hbm>>
      %dma_start3A_48 = tpu.memref_squeeze %dma_start3A_47 : memref<640x1x96xf32, #tpu.memory_space<hbm>> -> memref<640x96xf32, #tpu.memory_space<hbm>>
      %dma_start3A_49 = arith.constant 0 : i32
      %dma_start3A_50 = tpu.memref_slice %arg7[%mul3A_43, %dma_start3A_49] : memref<10240x96xf32, #tpu.memory_space<vmem_shared>> -> memref<640x96xf32, #tpu.memory_space<vmem_shared>>
      tpu.enqueue_dma source(%dma_start3A_50 : memref<640x96xf32, #tpu.memory_space<vmem_shared>>) target(%dma_start3A_48 : memref<640x96xf32, #tpu.memory_space<hbm>>) target_semaphore(%run_scoped3A : memref<!tpu.dma_semaphore, #tpu.memory_space<semaphore_mem>>)
      %dma_wait3A = arith.constant 0 : i32
      %dma_wait3A_51 = tpu.memref_slice %arg6[%mul3A_45, %add3A_24, %dma_wait3A] : memref<10240x4x96xf32, #tpu.memory_space<hbm>> -> memref<640x1x96xf32, #tpu.memory_space<hbm>>
      %dma_wait3A_52 = tpu.memref_squeeze %dma_wait3A_51 : memref<640x1x96xf32, #tpu.memory_space<hbm>> -> memref<640x96xf32, #tpu.memory_space<hbm>>
      %dma_wait3A_53 = arith.constant 0 : i32
      %dma_wait3A_54 = tpu.memref_slice %arg7[%mul3A_43, %dma_wait3A_53] : memref<10240x96xf32, #tpu.memory_space<vmem_shared>> -> memref<640x96xf32, #tpu.memory_space<vmem_shared>>
      tpu.wait_dma2 semaphore(%run_scoped3A : memref<!tpu.dma_semaphore, #tpu.memory_space<semaphore_mem>>) src(%dma_wait3A_54 : memref<640x96xf32, #tpu.memory_space<vmem_shared>>) dst(%dma_wait3A_52 : memref<640x96xf32, #tpu.memory_space<hbm>>)
      tpu.yield
    }) : () -> ()
    return
  }
}

module attributes {stable_mosaic.version = 14 : i64} {
  func.func @_mlp_body(%arg0: i32, %arg1: memref<512x128xf32, #tpu.memory_space<vmem>>, %arg2: memref<512x128xf32, #tpu.memory_space<vmem>>, %arg3: memref<128x384xf32, #tpu.memory_space<vmem>>, %arg4: memref<1x384xf32, #tpu.memory_space<vmem>>, %arg5: memref<384x384xf32, #tpu.memory_space<vmem>>, %arg6: memref<1x384xf32, #tpu.memory_space<vmem>>, %arg7: memref<512x384xf32, #tpu.memory_space<vmem>>) attributes {dimension_semantics = [#tpu.dimension_semantics<arbitrary>], iteration_bounds = array<i64: 20>, scalar_prefetch = 0 : i64, scratch_operands = 0 : i64, tpu.core_type = #tpu.core_type<tc>, window_params = [{transform_indices = @transform_0, window_bounds = array<i64: 512, 128>}, {transform_indices = @transform_1, window_bounds = array<i64: 512, 128>}, {pipeline_mode = #tpu.pipeline_mode<synchronous>, transform_indices = @transform_2, window_bounds = array<i64: 128, 384>}, {pipeline_mode = #tpu.pipeline_mode<synchronous>, transform_indices = @transform_3, window_bounds = array<i64: 1, 384>}, {pipeline_mode = #tpu.pipeline_mode<synchronous>, transform_indices = @transform_4, window_bounds = array<i64: 384, 384>}, {pipeline_mode = #tpu.pipeline_mode<synchronous>, transform_indices = @transform_5, window_bounds = array<i64: 1, 384>}, {transform_indices = @transform_6, window_bounds = array<i64: 512, 384>}]} {
    %get3A = arith.constant 0 : index
    %get3A_0 = arith.constant 0 : index
    %get3A_1 = vector.load %arg1[%get3A, %get3A_0] : memref<512x128xf32, #tpu.memory_space<vmem>>, vector<512x128xf32>
    %get3A_2 = arith.constant 0 : index
    %get3A_3 = arith.constant 0 : index
    %get3A_4 = vector.load %arg2[%get3A_2, %get3A_3] : memref<512x128xf32, #tpu.memory_space<vmem>>, vector<512x128xf32>
    %add3A = arith.addf %get3A_1, %get3A_4 : vector<512x128xf32>
    %get3A_5 = arith.constant 0 : index
    %get3A_6 = arith.constant 0 : index
    %get3A_7 = vector.load %arg3[%get3A_5, %get3A_6] : memref<128x384xf32, #tpu.memory_space<vmem>>, vector<128x384xf32>
    %dot_general3A = arith.constant dense<0.000000e+00> : vector<512x384xf32>
    %dot_general3A_8 = tpu.matmul %add3A, %get3A_7, %dot_general3A {dimension_numbers = #tpu.dot_dimension_numbers<[1], [0], [0], [1], [0, 0, 1, 1], [], []>, transpose_lhs_hint = false} : vector<512x128xf32>, vector<128x384xf32>, vector<512x384xf32> -> vector<512x384xf32>
    %get3A_9 = arith.constant 0 : index
    %get3A_10 = arith.constant 0 : index
    %get3A_11 = vector.load %arg4[%get3A_9, %get3A_10] : memref<1x384xf32, #tpu.memory_space<vmem>>, vector<1x384xf32>
    %add3A_12 = vector.broadcast %get3A_11 : vector<1x384xf32> to vector<512x384xf32>
    %add3A_13 = arith.addf %dot_general3A_8, %add3A_12 : vector<512x384xf32>
    %max3A = arith.constant 0.000000e+00 : f32
    %max3A_14 = vector.broadcast %max3A : f32 to vector<512x384xf32>
    %max3A_15 = arith.maximumf %add3A_13, %max3A_14 : vector<512x384xf32>
    %get3A_16 = arith.constant 0 : index
    %get3A_17 = arith.constant 0 : index
    %get3A_18 = vector.load %arg5[%get3A_16, %get3A_17] : memref<384x384xf32, #tpu.memory_space<vmem>>, vector<384x384xf32>
    %dot_general3A_19 = arith.constant dense<0.000000e+00> : vector<512x384xf32>
    %dot_general3A_20 = tpu.matmul %max3A_15, %get3A_18, %dot_general3A_19 {dimension_numbers = #tpu.dot_dimension_numbers<[1], [0], [0], [1], [0, 0, 1, 1], [], []>, transpose_lhs_hint = false} : vector<512x384xf32>, vector<384x384xf32>, vector<512x384xf32> -> vector<512x384xf32>
    %get3A_21 = arith.constant 0 : index
    %get3A_22 = arith.constant 0 : index
    %get3A_23 = vector.load %arg6[%get3A_21, %get3A_22] : memref<1x384xf32, #tpu.memory_space<vmem>>, vector<1x384xf32>
    %add3A_24 = vector.broadcast %get3A_23 : vector<1x384xf32> to vector<512x384xf32>
    %add3A_25 = arith.addf %dot_general3A_20, %add3A_24 : vector<512x384xf32>
    %max3A_26 = arith.constant 0.000000e+00 : f32
    %max3A_27 = vector.broadcast %max3A_26 : f32 to vector<512x384xf32>
    %max3A_28 = arith.maximumf %add3A_25, %max3A_27 : vector<512x384xf32>
    %mul3A = arith.constant 512 : i32
    %mul3A_29 = arith.muli %arg0, %mul3A : i32
    %iota3A = tpu.iota {dimensions = array<i32: 0>} : vector<512x384xi32>
    %add3A_30 = vector.broadcast %mul3A_29 : i32 to vector<512x384xi32>
    %add3A_31 = arith.addi %add3A_30, %iota3A : vector<512x384xi32>
    %lt3A = arith.constant 10000 : i32
    %lt3A_32 = vector.broadcast %lt3A : i32 to vector<512x384xi32>
    %lt3A_33 = arith.cmpi slt, %add3A_31, %lt3A_32 : vector<512x384xi32>
    %jit3A = arith.constant 0.000000e+00 : f32
    %broadcast_in_dim3A = vector.broadcast %jit3A : f32 to vector<512x384xf32>
    %select_n3A = arith.select %lt3A_33, %max3A_28, %broadcast_in_dim3A : vector<512x384xi1>, vector<512x384xf32>
    %swap3A = arith.constant 0 : index
    %swap3A_34 = arith.constant 0 : index
    %swap3A_35 = vector.load %arg7[%swap3A, %swap3A_34] : memref<512x384xf32, #tpu.memory_space<vmem>>, vector<512x384xf32>
    tpu.vector_store %arg7[%swap3A, %swap3A_34], %select_n3A {strides = array<i32>} : memref<512x384xf32, #tpu.memory_space<vmem>>, vector<512x384xf32>,
    return
  }
  func.func @transform_0(%arg0: i32) -> (i32, i32) {
    %c0_i32 = arith.constant 0 : i32
    %c0_i32_0 = arith.constant 0 : i32
    return %arg0, %c0_i32 : i32, i32
  }
  func.func @transform_1(%arg0: i32) -> (i32, i32) {
    %c0_i32 = arith.constant 0 : i32
    %c0_i32_0 = arith.constant 0 : i32
    return %arg0, %c0_i32 : i32, i32
  }
  func.func @transform_2(%arg0: i32) -> (i32, i32) {
    %c0_i32 = arith.constant 0 : i32
    %c0_i32_0 = arith.constant 0 : i32
    %c0_i32_1 = arith.constant 0 : i32
    return %c0_i32, %c0_i32_0 : i32, i32
  }
  func.func @transform_3(%arg0: i32) -> (i32, i32) {
    %c0_i32 = arith.constant 0 : i32
    %c0_i32_0 = arith.constant 0 : i32
    %c0_i32_1 = arith.constant 0 : i32
    return %c0_i32, %c0_i32_0 : i32, i32
  }
  func.func @transform_4(%arg0: i32) -> (i32, i32) {
    %c0_i32 = arith.constant 0 : i32
    %c0_i32_0 = arith.constant 0 : i32
    %c0_i32_1 = arith.constant 0 : i32
    return %c0_i32, %c0_i32_0 : i32, i32
  }
  func.func @transform_5(%arg0: i32) -> (i32, i32) {
    %c0_i32 = arith.constant 0 : i32
    %c0_i32_0 = arith.constant 0 : i32
    %c0_i32_1 = arith.constant 0 : i32
    return %c0_i32, %c0_i32_0 : i32, i32
  }
  func.func @transform_6(%arg0: i32) -> (i32, i32) {
    %c0_i32 = arith.constant 0 : i32
    %c0_i32_0 = arith.constant 0 : i32
    return %arg0, %c0_i32 : i32, i32
  }
}

module attributes {stable_mosaic.version = 14 : i64} {
  func.func @_mlp_body(%arg0: i32, %arg1: memref<512x384xf32, #tpu.memory_space<vmem>>, %arg2: memref<512x384xf32, #tpu.memory_space<vmem>>, %arg3: memref<384x384xf32, #tpu.memory_space<vmem>>, %arg4: memref<1x384xf32, #tpu.memory_space<vmem>>, %arg5: memref<384x384xf32, #tpu.memory_space<vmem>>, %arg6: memref<1x384xf32, #tpu.memory_space<vmem>>, %arg7: memref<512x384xf32, #tpu.memory_space<vmem>>) attributes {dimension_semantics = [#tpu.dimension_semantics<arbitrary>], iteration_bounds = array<i64: 20>, scalar_prefetch = 0 : i64, scratch_operands = 0 : i64, tpu.core_type = #tpu.core_type<tc>, window_params = [{transform_indices = @transform_0, window_bounds = array<i64: 512, 384>}, {transform_indices = @transform_1, window_bounds = array<i64: 512, 384>}, {pipeline_mode = #tpu.pipeline_mode<synchronous>, transform_indices = @transform_2, window_bounds = array<i64: 384, 384>}, {pipeline_mode = #tpu.pipeline_mode<synchronous>, transform_indices = @transform_3, window_bounds = array<i64: 1, 384>}, {pipeline_mode = #tpu.pipeline_mode<synchronous>, transform_indices = @transform_4, window_bounds = array<i64: 384, 384>}, {pipeline_mode = #tpu.pipeline_mode<synchronous>, transform_indices = @transform_5, window_bounds = array<i64: 1, 384>}, {transform_indices = @transform_6, window_bounds = array<i64: 512, 384>}]} {
    %get3A = arith.constant 0 : index
    %get3A_0 = arith.constant 0 : index
    %get3A_1 = vector.load %arg1[%get3A, %get3A_0] : memref<512x384xf32, #tpu.memory_space<vmem>>, vector<512x384xf32>
    %get3A_2 = arith.constant 0 : index
    %get3A_3 = arith.constant 0 : index
    %get3A_4 = vector.load %arg2[%get3A_2, %get3A_3] : memref<512x384xf32, #tpu.memory_space<vmem>>, vector<512x384xf32>
    %add3A = arith.addf %get3A_1, %get3A_4 : vector<512x384xf32>
    %get3A_5 = arith.constant 0 : index
    %get3A_6 = arith.constant 0 : index
    %get3A_7 = vector.load %arg3[%get3A_5, %get3A_6] : memref<384x384xf32, #tpu.memory_space<vmem>>, vector<384x384xf32>
    %dot_general3A = arith.constant dense<0.000000e+00> : vector<512x384xf32>
    %dot_general3A_8 = tpu.matmul %add3A, %get3A_7, %dot_general3A {dimension_numbers = #tpu.dot_dimension_numbers<[1], [0], [0], [1], [0, 0, 1, 1], [], []>, transpose_lhs_hint = false} : vector<512x384xf32>, vector<384x384xf32>, vector<512x384xf32> -> vector<512x384xf32>
    %get3A_9 = arith.constant 0 : index
    %get3A_10 = arith.constant 0 : index
    %get3A_11 = vector.load %arg4[%get3A_9, %get3A_10] : memref<1x384xf32, #tpu.memory_space<vmem>>, vector<1x384xf32>
    %add3A_12 = vector.broadcast %get3A_11 : vector<1x384xf32> to vector<512x384xf32>
    %add3A_13 = arith.addf %dot_general3A_8, %add3A_12 : vector<512x384xf32>
    %max3A = arith.constant 0.000000e+00 : f32
    %max3A_14 = vector.broadcast %max3A : f32 to vector<512x384xf32>
    %max3A_15 = arith.maximumf %add3A_13, %max3A_14 : vector<512x384xf32>
    %get3A_16 = arith.constant 0 : index
    %get3A_17 = arith.constant 0 : index
    %get3A_18 = vector.load %arg5[%get3A_16, %get3A_17] : memref<384x384xf32, #tpu.memory_space<vmem>>, vector<384x384xf32>
    %dot_general3A_19 = arith.constant dense<0.000000e+00> : vector<512x384xf32>
    %dot_general3A_20 = tpu.matmul %max3A_15, %get3A_18, %dot_general3A_19 {dimension_numbers = #tpu.dot_dimension_numbers<[1], [0], [0], [1], [0, 0, 1, 1], [], []>, transpose_lhs_hint = false} : vector<512x384xf32>, vector<384x384xf32>, vector<512x384xf32> -> vector<512x384xf32>
    %get3A_21 = arith.constant 0 : index
    %get3A_22 = arith.constant 0 : index
    %get3A_23 = vector.load %arg6[%get3A_21, %get3A_22] : memref<1x384xf32, #tpu.memory_space<vmem>>, vector<1x384xf32>
    %add3A_24 = vector.broadcast %get3A_23 : vector<1x384xf32> to vector<512x384xf32>
    %add3A_25 = arith.addf %dot_general3A_20, %add3A_24 : vector<512x384xf32>
    %max3A_26 = arith.constant 0.000000e+00 : f32
    %max3A_27 = vector.broadcast %max3A_26 : f32 to vector<512x384xf32>
    %max3A_28 = arith.maximumf %add3A_25, %max3A_27 : vector<512x384xf32>
    %mul3A = arith.constant 512 : i32
    %mul3A_29 = arith.muli %arg0, %mul3A : i32
    %iota3A = tpu.iota {dimensions = array<i32: 0>} : vector<512x384xi32>
    %add3A_30 = vector.broadcast %mul3A_29 : i32 to vector<512x384xi32>
    %add3A_31 = arith.addi %add3A_30, %iota3A : vector<512x384xi32>
    %lt3A = arith.constant 10000 : i32
    %lt3A_32 = vector.broadcast %lt3A : i32 to vector<512x384xi32>
    %lt3A_33 = arith.cmpi slt, %add3A_31, %lt3A_32 : vector<512x384xi32>
    %jit3A = arith.constant 0.000000e+00 : f32
    %broadcast_in_dim3A = vector.broadcast %jit3A : f32 to vector<512x384xf32>
    %select_n3A = arith.select %lt3A_33, %max3A_28, %broadcast_in_dim3A : vector<512x384xi1>, vector<512x384xf32>
    %swap3A = arith.constant 0 : index
    %swap3A_34 = arith.constant 0 : index
    %swap3A_35 = vector.load %arg7[%swap3A, %swap3A_34] : memref<512x384xf32, #tpu.memory_space<vmem>>, vector<512x384xf32>
    tpu.vector_store %arg7[%swap3A, %swap3A_34], %select_n3A {strides = array<i32>} : memref<512x384xf32, #tpu.memory_space<vmem>>, vector<512x384xf32>,
    return
  }
  func.func @transform_0(%arg0: i32) -> (i32, i32) {
    %c0_i32 = arith.constant 0 : i32
    %c0_i32_0 = arith.constant 0 : i32
    return %arg0, %c0_i32 : i32, i32
  }
  func.func @transform_1(%arg0: i32) -> (i32, i32) {
    %c0_i32 = arith.constant 0 : i32
    %c0_i32_0 = arith.constant 0 : i32
    return %arg0, %c0_i32 : i32, i32
  }
  func.func @transform_2(%arg0: i32) -> (i32, i32) {
    %c0_i32 = arith.constant 0 : i32
    %c0_i32_0 = arith.constant 0 : i32
    %c0_i32_1 = arith.constant 0 : i32
    return %c0_i32, %c0_i32_0 : i32, i32
  }
  func.func @transform_3(%arg0: i32) -> (i32, i32) {
    %c0_i32 = arith.constant 0 : i32
    %c0_i32_0 = arith.constant 0 : i32
    %c0_i32_1 = arith.constant 0 : i32
    return %c0_i32, %c0_i32_0 : i32, i32
  }
  func.func @transform_4(%arg0: i32) -> (i32, i32) {
    %c0_i32 = arith.constant 0 : i32
    %c0_i32_0 = arith.constant 0 : i32
    %c0_i32_1 = arith.constant 0 : i32
    return %c0_i32, %c0_i32_0 : i32, i32
  }
  func.func @transform_5(%arg0: i32) -> (i32, i32) {
    %c0_i32 = arith.constant 0 : i32
    %c0_i32_0 = arith.constant 0 : i32
    %c0_i32_1 = arith.constant 0 : i32
    return %c0_i32, %c0_i32_0 : i32, i32
  }
  func.func @transform_6(%arg0: i32) -> (i32, i32) {
    %c0_i32 = arith.constant 0 : i32
    %c0_i32_0 = arith.constant 0 : i32
    return %arg0, %c0_i32 : i32, i32
  }
}

module attributes {stable_mosaic.version = 14 : i64} {
  func.func @_mlp_final_body(%arg0: i32, %arg1: memref<512x384xf32, #tpu.memory_space<vmem>>, %arg2: memref<512x384xf32, #tpu.memory_space<vmem>>, %arg3: memref<384x384xf32, #tpu.memory_space<vmem>>, %arg4: memref<1x384xf32, #tpu.memory_space<vmem>>, %arg5: memref<384x384xf32, #tpu.memory_space<vmem>>, %arg6: memref<1x384xf32, #tpu.memory_space<vmem>>, %arg7: memref<1x384xf32, #tpu.memory_space<vmem>>, %arg8: memref<1x1xf32, #tpu.memory_space<vmem>>, %arg9: memref<1x2xf32, #tpu.memory_space<vmem>>, %arg10: memref<8x384xf32, #tpu.memory_space<vmem>>) attributes {dimension_semantics = [#tpu.dimension_semantics<arbitrary>], iteration_bounds = array<i64: 20>, scalar_prefetch = 0 : i64, scratch_operands = 1 : i64, tpu.core_type = #tpu.core_type<tc>, window_params = [{transform_indices = @transform_0, window_bounds = array<i64: 512, 384>}, {transform_indices = @transform_1, window_bounds = array<i64: 512, 384>}, {pipeline_mode = #tpu.pipeline_mode<synchronous>, transform_indices = @transform_2, window_bounds = array<i64: 384, 384>}, {pipeline_mode = #tpu.pipeline_mode<synchronous>, transform_indices = @transform_3, window_bounds = array<i64: 1, 384>}, {pipeline_mode = #tpu.pipeline_mode<synchronous>, transform_indices = @transform_4, window_bounds = array<i64: 384, 384>}, {pipeline_mode = #tpu.pipeline_mode<synchronous>, transform_indices = @transform_5, window_bounds = array<i64: 1, 384>}, {pipeline_mode = #tpu.pipeline_mode<synchronous>, transform_indices = @transform_6, window_bounds = array<i64: 1, 384>}, {pipeline_mode = #tpu.pipeline_mode<synchronous>, transform_indices = @transform_7, window_bounds = array<i64: 1, 1>}, {pipeline_mode = #tpu.pipeline_mode<synchronous>, transform_indices = @transform_8, window_bounds = array<i64: 1, 2>}]} {
    %get3A = arith.constant 0 : index
    %get3A_0 = arith.constant 0 : index
    %get3A_1 = vector.load %arg1[%get3A, %get3A_0] : memref<512x384xf32, #tpu.memory_space<vmem>>, vector<512x384xf32>
    %get3A_2 = arith.constant 0 : index
    %get3A_3 = arith.constant 0 : index
    %get3A_4 = vector.load %arg2[%get3A_2, %get3A_3] : memref<512x384xf32, #tpu.memory_space<vmem>>, vector<512x384xf32>
    %add3A = arith.addf %get3A_1, %get3A_4 : vector<512x384xf32>
    %get3A_5 = arith.constant 0 : index
    %get3A_6 = arith.constant 0 : index
    %get3A_7 = vector.load %arg3[%get3A_5, %get3A_6] : memref<384x384xf32, #tpu.memory_space<vmem>>, vector<384x384xf32>
    %dot_general3A = arith.constant dense<0.000000e+00> : vector<512x384xf32>
    %dot_general3A_8 = tpu.matmul %add3A, %get3A_7, %dot_general3A {dimension_numbers = #tpu.dot_dimension_numbers<[1], [0], [0], [1], [0, 0, 1, 1], [], []>, transpose_lhs_hint = false} : vector<512x384xf32>, vector<384x384xf32>, vector<512x384xf32> -> vector<512x384xf32>
    %get3A_9 = arith.constant 0 : index
    %get3A_10 = arith.constant 0 : index
    %get3A_11 = vector.load %arg4[%get3A_9, %get3A_10] : memref<1x384xf32, #tpu.memory_space<vmem>>, vector<1x384xf32>
    %add3A_12 = vector.broadcast %get3A_11 : vector<1x384xf32> to vector<512x384xf32>
    %add3A_13 = arith.addf %dot_general3A_8, %add3A_12 : vector<512x384xf32>
    %max3A = arith.constant 0.000000e+00 : f32
    %max3A_14 = vector.broadcast %max3A : f32 to vector<512x384xf32>
    %max3A_15 = arith.maximumf %add3A_13, %max3A_14 : vector<512x384xf32>
    %get3A_16 = arith.constant 0 : index
    %get3A_17 = arith.constant 0 : index
    %get3A_18 = vector.load %arg5[%get3A_16, %get3A_17] : memref<384x384xf32, #tpu.memory_space<vmem>>, vector<384x384xf32>
    %dot_general3A_19 = arith.constant dense<0.000000e+00> : vector<512x384xf32>
    %dot_general3A_20 = tpu.matmul %max3A_15, %get3A_18, %dot_general3A_19 {dimension_numbers = #tpu.dot_dimension_numbers<[1], [0], [0], [1], [0, 0, 1, 1], [], []>, transpose_lhs_hint = false} : vector<512x384xf32>, vector<384x384xf32>, vector<512x384xf32> -> vector<512x384xf32>
    %get3A_21 = arith.constant 0 : index
    %get3A_22 = arith.constant 0 : index
    %get3A_23 = vector.load %arg6[%get3A_21, %get3A_22] : memref<1x384xf32, #tpu.memory_space<vmem>>, vector<1x384xf32>
    %add3A_24 = vector.broadcast %get3A_23 : vector<1x384xf32> to vector<512x384xf32>
    %add3A_25 = arith.addf %dot_general3A_20, %add3A_24 : vector<512x384xf32>
    %max3A_26 = arith.constant 0.000000e+00 : f32
    %max3A_27 = vector.broadcast %max3A_26 : f32 to vector<512x384xf32>
    %max3A_28 = arith.maximumf %add3A_25, %max3A_27 : vector<512x384xf32>
    %mul3A = arith.constant 512 : i32
    %mul3A_29 = arith.muli %arg0, %mul3A : i32
    %iota3A = tpu.iota {dimensions = array<i32: 0>} : vector<512x384xi32>
    %add3A_30 = vector.broadcast %mul3A_29 : i32 to vector<512x384xi32>
    %add3A_31 = arith.addi %add3A_30, %iota3A : vector<512x384xi32>
    %lt3A = arith.constant 10000 : i32
    %lt3A_32 = vector.broadcast %lt3A : i32 to vector<512x384xi32>
    %lt3A_33 = arith.cmpi slt, %add3A_31, %lt3A_32 : vector<512x384xi32>
    %jit3A = arith.constant 0.000000e+00 : f32
    %broadcast_in_dim3A = vector.broadcast %jit3A : f32 to vector<512x384xf32>
    %select_n3A = arith.select %lt3A_33, %max3A_28, %broadcast_in_dim3A : vector<512x384xi1>, vector<512x384xf32>
    %reduce_sum3A = arith.constant dense<0.000000e+00> : vector<384xf32>
    %reduce_sum3A_34 = vector.multi_reduction <add>, %select_n3A, %reduce_sum3A [0] : vector<512x384xf32> to vector<384xf32>
    %broadcast_in_dim3A_35 = vector.shape_cast %reduce_sum3A_34 : vector<384xf32> to vector<1x384xf32>
    %eq3A = arith.constant 0 : i32
    %eq3A_36 = arith.cmpi eq, %arg0, %eq3A : i32
    %convert_element_type3A = arith.extui %eq3A_36 : i1 to i32
    %cond3A = arith.constant 0 : i32
    %cond3A_37 = arith.cmpi ne, %convert_element_type3A, %cond3A : i32
    scf.if %cond3A_37 {
      %broadcast_in_dim3A_49 = arith.constant 0.000000e+00 : f32
      %broadcast_in_dim3A_50 = vector.broadcast %broadcast_in_dim3A_49 : f32 to vector<8x384xf32>
      %swap3A_51 = arith.constant 0 : index
      %swap3A_52 = arith.constant 0 : index
      %swap3A_53 = vector.load %arg10[%swap3A_51, %swap3A_52] : memref<8x384xf32, #tpu.memory_space<vmem>>, vector<8x384xf32>
      tpu.vector_store %arg10[%swap3A_51, %swap3A_52], %broadcast_in_dim3A_50 {strides = array<i32>} : memref<8x384xf32, #tpu.memory_space<vmem>>, vector<8x384xf32>,
    } else {
    }
    %get3A_38 = arith.constant 0 : index
    %get3A_39 = arith.constant 0 : index
    %get3A_40 = vector.load %arg10[%get3A_38, %get3A_39] : memref<8x384xf32, #tpu.memory_space<vmem>>, vector<1x384xf32>
    %add3A_41 = arith.addf %get3A_40, %broadcast_in_dim3A_35 : vector<1x384xf32>
    %swap3A = arith.constant 0 : index
    %swap3A_42 = arith.constant 0 : index
    %swap3A_43 = vector.load %arg10[%swap3A, %swap3A_42] : memref<8x384xf32, #tpu.memory_space<vmem>>, vector<1x384xf32>
    tpu.vector_store %arg10[%swap3A, %swap3A_42], %add3A_41 {strides = array<i32>} : memref<8x384xf32, #tpu.memory_space<vmem>>, vector<1x384xf32>,
    %eq3A_44 = arith.constant 19 : i32
    %eq3A_45 = arith.cmpi eq, %arg0, %eq3A_44 : i32
    %convert_element_type3A_46 = arith.extui %eq3A_45 : i1 to i32
    %cond3A_47 = arith.constant 0 : i32
    %cond3A_48 = arith.cmpi ne, %convert_element_type3A_46, %cond3A_47 : i32
    scf.if %cond3A_48 {
      %get3A_49 = arith.constant 0 : index
      %get3A_50 = arith.constant 0 : index
      %get3A_51 = vector.load %arg10[%get3A_49, %get3A_50] : memref<8x384xf32, #tpu.memory_space<vmem>>, vector<1x384xf32>
      %get3A_52 = arith.constant 0 : index
      %get3A_53 = arith.constant 0 : index
      %get3A_54 = vector.load %arg7[%get3A_52, %get3A_53] : memref<1x384xf32, #tpu.memory_space<vmem>>, vector<1x384xf32>
      %mul3A_55 = arith.mulf %get3A_51, %get3A_54 : vector<1x384xf32>
      %reduce_sum3A_56 = vector.shape_cast %mul3A_55 : vector<1x384xf32> to vector<1x1x384xf32>
      %reduce_sum3A_57 = arith.constant dense<0.000000e+00> : vector<1xf32>
      %reduce_sum3A_58 = vector.multi_reduction <add>, %reduce_sum3A_56, %reduce_sum3A_57 [1, 2] : vector<1x1x384xf32> to vector<1xf32>
      %reduce_sum3A_59 = vector.shape_cast %reduce_sum3A_58 : vector<1xf32> to vector<1x1x1xf32>
      %reduce_sum3A_60 = vector.extract %reduce_sum3A_59[0, 0, 0] : f32 from vector<1x1x1xf32>
      %get3A_61 = arith.constant 0 : index
      %get3A_62 = arith.constant 0 : index
      %get3A_63 = vector.load %arg8[%get3A_61, %get3A_62] : memref<1x1xf32, #tpu.memory_space<vmem>>, vector<1x1xf32>
      %get3A_64 = vector.extract %get3A_63[0, 0] : f32 from vector<1x1xf32>
      %add3A_65 = arith.addf %reduce_sum3A_60, %get3A_64 : f32
      %neg3A = arith.constant 0.000000e+00 : f32
      %neg3A_66 = arith.subf %neg3A, %add3A_65 : f32
      %exp3A = math.exp %neg3A_66 : f32
      %add3A_67 = arith.constant 1.000000e+00 : f32
      %add3A_68 = arith.addf %add3A_67, %exp3A : f32
      %div3A = arith.constant 1.000000e+00 : f32
      %div3A_69 = arith.divf %div3A, %add3A_68 : f32
      %sub3A = arith.constant 1.000000e+00 : f32
      %sub3A_70 = arith.subf %sub3A, %div3A_69 : f32
      %stack3A = vector.broadcast %sub3A_70 : f32 to vector<1xf32>
      %stack3A_71 = vector.broadcast %div3A_69 : f32 to vector<1xf32>
      %stack3A_72 = tpu.concatenate %stack3A, %stack3A_71 in 0 : vector<1xf32>, vector<1xf32> -> vector<2xf32>
      %reshape3A = vector.shape_cast %stack3A_72 : vector<2xf32> to vector<1x2xf32>
      %swap3A_73 = arith.constant 0 : index
      %swap3A_74 = arith.constant 0 : index
      %swap3A_75 = vector.load %arg9[%swap3A_73, %swap3A_74] : memref<1x2xf32, #tpu.memory_space<vmem>>, vector<1x2xf32>
      tpu.vector_store %arg9[%swap3A_73, %swap3A_74], %reshape3A {strides = array<i32>} : memref<1x2xf32, #tpu.memory_space<vmem>>, vector<1x2xf32>,
    } else {
    }
    return
  }
  func.func @transform_0(%arg0: i32) -> (i32, i32) {
    %c0_i32 = arith.constant 0 : i32
    %c0_i32_0 = arith.constant 0 : i32
    return %arg0, %c0_i32 : i32, i32
  }
  func.func @transform_1(%arg0: i32) -> (i32, i32) {
    %c0_i32 = arith.constant 0 : i32
    %c0_i32_0 = arith.constant 0 : i32
    return %arg0, %c0_i32 : i32, i32
  }
  func.func @transform_2(%arg0: i32) -> (i32, i32) {
    %c0_i32 = arith.constant 0 : i32
    %c0_i32_0 = arith.constant 0 : i32
    %c0_i32_1 = arith.constant 0 : i32
    return %c0_i32, %c0_i32_0 : i32, i32
  }
  func.func @transform_3(%arg0: i32) -> (i32, i32) {
    %c0_i32 = arith.constant 0 : i32
    %c0_i32_0 = arith.constant 0 : i32
    %c0_i32_1 = arith.constant 0 : i32
    return %c0_i32, %c0_i32_0 : i32, i32
  }
  func.func @transform_4(%arg0: i32) -> (i32, i32) {
    %c0_i32 = arith.constant 0 : i32
    %c0_i32_0 = arith.constant 0 : i32
    %c0_i32_1 = arith.constant 0 : i32
    return %c0_i32, %c0_i32_0 : i32, i32
  }
  func.func @transform_5(%arg0: i32) -> (i32, i32) {
    %c0_i32 = arith.constant 0 : i32
    %c0_i32_0 = arith.constant 0 : i32
    %c0_i32_1 = arith.constant 0 : i32
    return %c0_i32, %c0_i32_0 : i32, i32
  }
  func.func @transform_6(%arg0: i32) -> (i32, i32) {
    %c0_i32 = arith.constant 0 : i32
    %c0_i32_0 = arith.constant 0 : i32
    %c0_i32_1 = arith.constant 0 : i32
    return %c0_i32, %c0_i32_0 : i32, i32
  }
  func.func @transform_7(%arg0: i32) -> (i32, i32) {
    %c0_i32 = arith.constant 0 : i32
    %c0_i32_0 = arith.constant 0 : i32
    %c0_i32_1 = arith.constant 0 : i32
    return %c0_i32, %c0_i32_0 : i32, i32
  }
  func.func @transform_8(%arg0: i32) -> (i32, i32) {
    %c0_i32 = arith.constant 0 : i32
    %c0_i32_0 = arith.constant 0 : i32
    %c0_i32_1 = arith.constant 0 : i32
    return %c0_i32, %c0_i32_0 : i32, i32
  }
}

</mosaic_0001>

<sc_bundles>
// kernel: kernel.11.cloned.1.call-start
scs
__scs_entry_jumppad:
0x0: {  	(pc) =	sbr.rel $0x88, $3  }
0x1: {  	(tag) =	ssettag $0x0;
	lr =	simm.s32 $0x1  }
0x2: {  	[smem:$0x3F91] =	sst lr;
	_ =	strace $0xD0000000  }
0x3: {  	_ = 	snop  }
0x4: {  	_ = 	snop  }
0x5: {  	_ = 	snop  }
0x6: {  	_ = 	snop  }
0x7: {  	_ = 	snop  }
__scs_overlays_trampoline_lowered:
0x8: {  	[smem:$0x3FA0] =	sst s0  }
0x9: {  	[smem:$0x3FA1] =	sst s1  }
0xa: {  	[smem:$0x3FA2] =	sst s2  }
0xb: {  	[smem:$0x3FA3] =	sst s3  }
0xc: {  	[smem:$0x3FA4] =	sst s4  }
0xd: {  	[smem:$0x3FA5] =	sst s5  }
0xe: {  	[smem:$0x3FA6] =	sst s6  }
0xf: {  	[smem:$0x3FA7] =	sst s7  }
0x10: {  	[smem:$0x3FA8] =	sst s8  }
0x11: {  	[smem:$0x3FA9] =	sst s9;
	s0 =	simm.s32 @!p0 $0x0  }
0x12: {  	s1 =	sld [smem:$0x3F8F];
	s0 =	simm.s32 @p0 $0x1  }
0x13: {  	[smem:$0x3FAA] =	sst s0;
	s0 =	simm.s32 @!p1 $0x0  }
0x14: {  	s2 =	sld [smem:$0x3F8E];
	s0 =	simm.s32 @p1 $0x1  }
0x15: {  	[smem:$0x3FAB] =	sst s0;
	s0 =	simm.s32 @!p2 $0x0  }
0x16: {  	s3 =	sld [smem:$0x3FDB];
	s0 =	simm.s32 @p2 $0x1  }
0x17: {  	s4 =	simm.s32 $0x1BF5;
	[smem:$0x3FAD] =	sst s0  }
0x18: {  	s0 =	sld [smem:$0x3F90];
	_ =	swait.ge [sflag:s4], $0x0  }
0x19: {  	s7 =	sld [smem:$0x3F91]  }
0x1a: {  	s8 =	sadd.s32 $0xFFFFE003, lr  }
0x1b: {  	s9 =	sadd.s32 $0xFFFFFEF7, lr;
	s5 =	simm.s32 $0xFFFFFFFF;
	p2 =	slt.u32 s8, $0xFFFFF086  }
0x1c: {  	p1 =	slt.u32 s9, $0xF7A;
	s5 =	simm.s32 @!p2 $0x0  }
0x1d: {  	s5 =	simm.s32 @p1 $0x1;
	p0 =	seq.s32 s7, s2  }
0x1e: {  	s7 =	smul.u32 @!p0 $0xF7A, s2;
	p2 =	seq.s32 @!p0 s5, $0x0  }
0x1f: {  	s9 =	smul.u32 $0xF7A, s1;
	s8 =	simm.s32 @!p0 $0x1BF5;
	p2 =	por !p2, p0  }
0x20: {  	[sflag:s8] =	ssyncset.s32 @!p0 $0xFFFFF086;
	s6 =	sadd.s32 @!p0 s3, s7;
	s7 =	simm.s32 @!p0 $0x108  }
0x21: {  	s3 =	sadd.s32 s3, s9;
	s6 =	sadd.s32 @!p0 $0x88, s6;
	s7 =	simm.s32 @p2 $0x1082  }
0x22: {  	[simem:s7], [sflag:s8] =	dma.local @!p0 [hbm:s6], $0xF7A  }
0x23: {  	s9 =	sor.u32 $0xD0000000, s2;
	s6 =	simm.s32 $0x108;
	_ =	swait.ge @!p0 [sflag:s8], $0x0  }
0x24: {  	s3 =	sadd.s32 $0x88, s3;
	s6 =	simm.s32 @!p1 $0x1082;
	[sflag:s4] =	ssyncset.s32 $0xFFFFF086  }
0x25: {  	[simem:s6], [sflag:s4] =	dma.local [hbm:s3], $0xF7A  }
0x26: {  	[smem:$0x3F91] =	sst s1;
	(tag) =	ssettag s2;
	_ =	strace s9  }
0x27: {  	s1 =	sld [smem:$0x3FA1]  }
0x28: {  	s2 =	sld [smem:$0x3FA2]  }
0x29: {  	s4 =	sld [smem:$0x3FA4]  }
0x2a: {  	p0 =	seq.s32 s5, $0x0;
	s5 =	sld [smem:$0x3FA5]  }
0x2b: {  	s6 =	sld [smem:$0x3FA6]  }
0x2c: {  	s7 =	sld [smem:$0x3FA7]  }
0x2d: {  	s3 =	simm.s32 $0x108;
	s8 =	sld [smem:$0x3FA8]  }
0x2e: {  	s3 =	simm.s32 @!p0 $0x1082;
	s9 =	sld [smem:$0x3FA9]  }
0x2f: {  	lr =	sadd.s32 s0, s3;
	s0 =	sld [smem:$0x3FA0]  }
0x30: {  	s3 =	sld [smem:$0x3FA3]  }
0x31: {  	[smem:$0x3FAC] =	sst s10  }
0x32: {  	s10 =	sld [smem:$0x3FAA];
	_ =	sdelay $0x3  }
0x33: {  	p0 =	seq.s32 s10, $0x1;
	s10 =	sld [smem:$0x3FAC];
	_ =	sdelay $0x3  }
0x34: {  	[smem:$0x3FAC] =	sst s10  }
0x35: {  	s10 =	sld [smem:$0x3FAB];
	_ =	sdelay $0x3  }
0x36: {  	p1 =	seq.s32 s10, $0x1;
	s10 =	sld [smem:$0x3FAC];
	_ =	sdelay $0x3  }
0x37: {  	[smem:$0x3FAC] =	sst s10  }
0x38: {  	s10 =	sld [smem:$0x3FAD]  }
0x39: {  	_ = 	snop;
	(pc) =	sbr.ind lr, $3  }
0x3a: {  	_ = 	snop  }
0x3b: {  	_ = 	snop  }
0x3c: {  	p2 =	seq.s32 s10, $0x1;
	s10 =	sld [smem:$0x3FAC]  }
0x3d: {  	_ =	shalt  }
0x3e: {  	_ =	shalt  }
0x3f: {  	_ =	shalt  }
0x40: {  	_ =	shalt  }
0x41: {  	_ =	shalt  }
0x42: {  	_ =	shalt  }
0x43: {  	_ =	shalt  }
0x44: {  	_ =	shalt  }
0x45: {  	_ =	shalt  }
0x46: {  	_ =	shalt  }
0x47: {  	_ =	shalt  }
0x48: {  	_ =	shalt  }
0x49: {  	_ =	shalt  }
0x4a: {  	_ =	shalt  }
0x4b: {  	_ =	shalt  }
0x4c: {  	_ =	shalt  }
0x4d: {  	_ =	shalt  }
0x4e: {  	_ =	shalt  }
0x4f: {  	_ =	shalt  }
0x50: {  	_ =	shalt  }
0x51: {  	_ =	shalt  }
0x52: {  	_ =	shalt  }
0x53: {  	_ =	shalt  }
0x54: {  	_ =	shalt  }
0x55: {  	_ =	shalt  }
0x56: {  	_ =	shalt  }
0x57: {  	_ =	shalt  }
0x58: {  	_ =	shalt  }
0x59: {  	_ =	shalt  }
0x5a: {  	_ =	shalt  }
0x5b: {  	_ =	shalt  }
0x5c: {  	_ =	shalt  }
0x5d: {  	_ =	shalt  }
0x5e: {  	_ =	shalt  }
0x5f: {  	_ =	shalt  }
0x60: {  	_ =	shalt  }
0x61: {  	_ =	shalt  }
0x62: {  	_ =	shalt  }
0x63: {  	_ =	shalt  }
0x64: {  	_ =	shalt  }
0x65: {  	_ =	shalt  }
0x66: {  	_ =	shalt  }
0x67: {  	_ =	shalt  }
0x68: {  	_ =	shalt  }
0x69: {  	_ =	shalt  }
0x6a: {  	_ =	shalt  }
0x6b: {  	_ =	shalt  }
0x6c: {  	_ =	shalt  }
0x6d: {  	_ =	shalt  }
0x6e: {  	_ =	shalt  }
0x6f: {  	_ =	shalt  }
0x70: {  	_ =	shalt  }
0x71: {  	_ =	shalt  }
0x72: {  	_ =	shalt  }
0x73: {  	_ =	shalt  }
0x74: {  	_ =	shalt  }
0x75: {  	_ =	shalt  }
0x76: {  	_ =	shalt  }
0x77: {  	_ =	shalt  }
0x78: {  	_ =	shalt  }
0x79: {  	_ =	shalt  }
0x7a: {  	_ =	shalt  }
0x7b: {  	_ =	shalt  }
0x7c: {  	_ =	shalt  }
0x7d: {  	_ =	shalt  }
0x7e: {  	_ =	shalt  }
0x7f: {  	_ =	shalt  }
0x80: {  	_ =	shalt  }
0x81: {  	_ =	shalt  }
0x82: {  	_ =	shalt  }
0x83: {  	_ =	shalt  }
0x84: {  	_ =	shalt  }
0x85: {  	_ =	shalt  }
0x86: {  	_ =	shalt  }
0x87: {  	_ =	shalt  }
.Lfunc_end0:
.L_simem_size_0:
called_computation.1_lowered:
.L_overlay_start_0:
0x88: {  	s2 =	sld [smem:$0x3FD9]  }
0x89: {  	s3 =	sld [smem:$0x3FFE];
	_ =	sdelay $0x1  }
0x8a: {  	s1 =	srdreg.scid  }
0x8b: {  	s0 =	sand.u32 $0x1, s1  }
0x8c: {  	s16 =	sshll.u32 s0, $0xA;
	s2 =	sadd.s32 s3, s2  }
0x8d: {  	s2 =	sadd.s32 s2, s16  }
0x8e: {  	[smem:$0x3FB8] =	sst s2  }
0x8f: {  	_ = 	snop  }
0x90: {  	(tm) =	ssettm $0x1  }
0x91: {  	s17 =	sld [smem:$0x3FFB];
	_ =	sdelay $0x3  }
0x92: {  	_ =	strace s17  }
0x93: {  	s2 =	sld [smem:$0x3FFC];
	_ =	sdelay $0x3  }
0x94: {  	_ =	strace s2  }
0x95: {  	s2 =	sld [smem:$0x3FFD];
	_ =	sdelay $0x3  }
0x96: {  	_ =	strace s2  }
0x97: {  	_ =	strace $0x8FFFFFFF  }
0x98: {  	s18 =	sld [smem:$0x3FDB];
	_ =	sdelay $0x1  }
0x99: {  	s19 =	simm.s32 $_scs_section_size  }
0x9a: {  	s4 =	simm.s32 $_size__tile_overlayer_lowered;
	s5 =	simm.s32 $_tile_overlayer_lowered  }
0x9b: {  	s22 =	simm.s32 $0x1BFF;
	s21 =	sshll.u32 s5, $0x1;
	s2 =	sadd.s32 s19, s18  }
0x9c: {  	s6 =	simm.s32 $0x0;
	s20 =	sshll.u32 s4, $0x1;
	s4 =	sadd.s32 s21, s2  }
0x9d: {  	[timem:s6], [sflag:s22] =	dma.local [hbm:s4], s20  }
0x9e: {  	_ =	swait.ge [sflag:s22], s20  }
0x9f: {  	s3 =	ssub.s32 $0x0, s20;
	[sflag:s22] =	ssyncset.done $0x0  }
0xa0: {  	[sflag:s22] =	ssyncadd.s32 s3;
	_ =	sdelay $0x1  }
0xa1: {  	s23 =	simm.s32 $0x1B8B  }
0xa2: {  	_ =	swait.ge [sflag:s23], $0x1  }
0xa3: {  	[sflag:s23] =	ssyncset.done $0x0  }
0xa4: {  	s25 =	simm.s32 $0x1B8E;
	s24 =	sld [smem:$0x3FFE];
	[sflag:s23] =	ssyncadd.s32 $0xFFFFFFFF  }
0xa5: {  	s26 =	simm.s32 $execute0_lowered;
	[smem:$0x3FD2] =	sst s25  }
0xa6: {  	s4 =	sshll.u32 s26, $0x1;
	_ =	strace $0x80000049;
	[dreg:$0x1] =	wrdreg $0xFFFFFFFF  }
0xa7: {  	s28 =	simm.s32 $_size_execute0_lowered;
	s2 =	sadd.s32 s2, s4;
	[dreg:$0x0] =	wrdreg $0x0  }
0xa8: {  	s4 =	sshll.u32 s28, $0x1;
	[dreg:$0x2] =	wrdreg s2  }
0xa9: {  	[dreg:$0x3] =	wrdreg s4  }
0xaa: {  	[dreg:$0x4] =	wrdreg $0xC0  }
0xab: {  	_ =	task [dreg:s6], $0x5FFFF  }
0xac: {  	[dreg:$0x1] =	wrdreg $0xFFFFFFFF  }
0xad: {  	[dreg:$0x0] =	wrdreg $0x60  }
0xae: {  	[dreg:$0x2] =	wrdreg s24  }
0xaf: {  	[dreg:$0x3] =	wrdreg $0x0  }
0xb0: {  	[dreg:$0x4] =	wrdreg $0x9  }
0xb1: {  	_ =	task.clear_ibuf [dreg:s6], $0x5FFFF;
	_ =	strace $0x90000049  }
0xb2: {  	s29 =	simm.s32 $0x9;
	_ =	strace $0x8000004B  }
0xb3: {  	_ =	swait.ge [sflag:s29], $0x1  }
0xb4: {  	[sflag:s29] =	ssyncadd.s32 $0xFFFFFFFF  }
0xb5: {  	_ =	strace $0x9000004B  }
0xb6: {  	_ =	sfence  }
0xb7: {  	s30 =	sld [smem:$0x0];
	_ =	sdelay $0x2  }
0xb8: {  	s31 =	sshll.u32 s1, $0xD;
	s1 =	sshrl.u32 s1, $0x2  }
0xb9: {  	s3 =	sand.u32 $0x4000, s31;
	s1 =	sadd.s32 s1, s30  }
0xba: {  	s0 =	sor.u32 s3, s0;
	s1 =	sshll.u32 s1, $0x11  }
0xbb: {  	s0 =	sor.u32 s1, s0  }
0xbc: {  	s0 =	sadd.s32 $0x8F2B, s0  }
0xbd: {  	[sflag:s0] =	ssyncadd.remote.s32 $0x1  }
0xbe: {  	_ =	sfence.sel $0xFFFF  }
0xbf: {  	[dreg:$0x0] =	wrdreg $0xFFFFFFFF;
	(pc) =	sbr.abs _section_cstart, $3  }
0xc0: {  	[dreg:$0x1] =	wrdreg $0xFFFFFFFF  }
0xc1: {  	_ =	task.clear_ibuf [dreg:s6], $0x2FFFF;
	_ =	strace $0x9FFFFFFF  }
0xc2: {  	(tm) =	ssettm $0x7FFFFFFF  }
0xc3: {  	_ =	shalt  }
tec
execute0_lowered:
.L_overlay_start_1:
0x0: {  	(tag) =	ssettag $0x1  }
0x1: {  	s6 =	rddreg [dreg:$0x0]  }
0x2: {  	s2 =	rddreg [dreg:$0x1];
	s0 =	stileid.u32  }
0x3: {  	s3 =	simm.s32 $0x0;
	s10 =	srdreg.scid;
	s18 =	simm.s32 $0x18E00  }
0x4: {  	s19 =	simm.s32 $0x1BE00;
	s20 =	simm.s32 $0x1;
	s21 =	simm.s32 $0x2  }
0x5: {  	s22 =	simm.s32 $0x13E80;
	s23 =	simm.s32 $0x18D00;
	s24 =	simm.s32 $0x18D80  }
0x6: {  	s28 =	simm.s32 $0x0;
	s8 =	smul.u32 $0x4F00, s0;
	[smem:$0x7FF] =	sst s3  }
0x7: {  	s4 =	sadd.s32 $0x111000, s6;
	s9 =	sadd.s32 $0x71800, s6;
	s10 =	sand.u32 $0x1, s10  }
0x8: {  	s11 =	smul.u32 $0x3C000, s0;
	s12 =	sadd.s32 $0x189000, s6;
	s31 =	sshll.u32 s0, $0x6  }
0x9: {  	_ =	strace $0x8000004A;
	s25 =	ssub.s32 $0x2, s10;
	s13 =	smul.u32 $0x9E000, s10  }
0xa: {  	s15 =	smul.u32 $0xC0, s10;
	s10 =	sshllo.u32 s10, $0x1;
	s5 =	sshrl.u32 s8, $0x3  }
0xb: {  	s14 =	sshrl.u32 s25, $0x1;
	s29 =	smul.u32 $0x4F000, s10;
	s16 =	sshrl.u32 s11, $0x2  }
0xc: {  	s10 =	smul.u32 $0x60, s10;
	s7 =	sadd.s32 s5, s6;
	s5 =	sadd.s32 $0x2A00, s6  }
0xd: {  	s14 =	ssub.s32 s25, s14;
	s26 =	sadd.s32 s8, s13;
	s16 =	sadd.s32 s16, s2  }
0xe: {  	s15 =	sor.u32 s15, s11;
	s25 =	simm.s32 $0x30;
	s17 =	sshrl.u32 s26, $0x3  }
0xf: {  	s6 =	sadd.s32 $0x16600, s7;
	s8 =	sadd.s32 s8, s29;
	s10 =	sor.u32 s11, s10  }
0x10: {  	s30 =	sshrl.u32 s15, $0x3;
	s11 =	smax.u32 s14, $0x1;
	s14 =	sor.u32 $0x1C03, s31  }
0x11: {  	s15 =	sshrl.u32 s16, $0x3;
	s16 =	simm.s32 $0xF000;
	s26 =	simm.s32 $0xC  }
0x12: {  	s7 =	sadd.s32 s9, s17;
	s13 =	sshrl.u32 s8, $0x3;
	s10 =	sshrl.u32 s10, $0x3  }
0x13: {  	s8 =	sadd.s32 s12, s30;
	s17 =	simm.s32 $0x80;
	s9 =	sadd.s32 s9, s13  }
0x14: {  	s10 =	sadd.s32 s12, s10;
	s12 =	simm.s32 $0x13F00;
	s13 =	simm.s32 $0x3  }
.LBB2_1:
0x15: {  	[tilespmem:s12], [sflag:$0x3] =	stream.linear.gather [hbm4b:s6+s3], $0x4F00, $0x38;
	[tilespmem:$0x1EE00] =	vst v63  }
0x16: {  	_ =	swait.ge [sflag:s13], $0x4F00  }
0x17: {  	[sflag:s13] =	ssyncset.done $0x0  }
0x18: {  	[sflag:s13] =	ssyncadd.s32 $0xFFFFB100  }
0x19: {  	[spmem:s15], [sflag:s14] =	dma.local [hbm:s5], $0x1E00  }
0x1a: {  	_ =	swait.ge [sflag:s13], $0x1E00  }
0x1b: {  	[sflag:s13] =	ssyncset.done $0x0  }
0x1c: {  	[sflag:s13] =	ssyncadd.s32 $0xFFFFE200  }
0x1d: {  	[tilespmem:s16], [sflag:$0x3] =	stream.linear.gather [hbm4b:s7+s3], $0x4F00, $0x38;
	[tilespmem:$0x1EE00] =	vst v63  }
0x1e: {  	_ =	swait.ge [sflag:s13], $0x4F00  }
0x1f: {  	[sflag:s13] =	ssyncset.done $0x0  }
0x20: {  	[sflag:s13] =	ssyncadd.s32 $0xFFFFB100  }
0x21: {  	[bflag:$0x0] =	sbarrier.arrive $0xFFFF  }
0x22: {  	[tilespmem:s18], [sflag:$0x1] =	stream.indirect.gather [hbm4b:s4+s17], $0x60, s16, s17, $0xb8;
	[tilespmem:$0x1EE00] =	vst v63  }
0x23: {  	s29 =	simm.s32 $0xF080  }
0x24: {  	[tilespmem:s19], [sflag:$0x2] =	stream.indirect.gather [hbm4b:s4+s17], $0x60, s29, s17, $0xb8;
	[tilespmem:$0x1EE00] =	vst v63  }
0x25: {  	_ =	swait.ge [sflag:s20], $0x3000  }
0x26: {  	[sflag:s20] =	ssyncset.done $0x0  }
0x27: {  	s29 =	simm.s32 $0x13F00;
	[sflag:s20] =	ssyncadd.s32 $0xFFFFD000  }
0x28: {  	[spmem:s2] =	stream.indirect.scatter.add.f32 [tilespmem:s18], [sflag:$0x3], $0x60, s29, s17, $0xb8;
	[tilespmem:$0x1EE00] =	vst v63  }
0x29: {  	_ =	swait.ge [sflag:s13], $0x3000  }
0x2a: {  	[sflag:s13] =	ssyncset.done $0x0  }
0x2b: {  	s29 =	simm.s32 $0xF100;
	[sflag:s13] =	ssyncadd.s32 $0xFFFFD000  }
0x2c: {  	[tilespmem:s18], [sflag:$0x1] =	stream.indirect.gather [hbm4b:s4+s17], $0x60, s29, s17, $0xb8;
	[tilespmem:$0x1EE00] =	vst v63  }
0x2d: {  	_ =	swait.ge [sflag:s21], $0x3000  }
0x2e: {  	[sflag:s21] =	ssyncset.done $0x0  }
0x2f: {  	s29 =	simm.s32 $0x13F80;
	[sflag:s21] =	ssyncadd.s32 $0xFFFFD000  }
0x30: {  	[spmem:s2] =	stream.indirect.scatter.add.f32 [tilespmem:s19], [sflag:$0x3], $0x60, s29, s17, $0xb8;
	[tilespmem:$0x1EE00] =	vst v63  }
0x31: {  	_ =	swait.ge [sflag:s13], $0x3000  }
0x32: {  	s30 =	simm.s32 $0x800;
	s29 =	simm.s32 $0x100;
	[sflag:s13] =	ssyncset.done $0x0  }
.LBB2_2:
0x33: {  	s31 =	sadd.s32 $0xF080, s29  }
0x34: {  	[sflag:s13] =	ssyncadd.s32 $0xFFFFD000;
	s0 =	smov.u32 s30;
	s1 =	sadd.s32 $0x400, s30  }
0x35: {  	[tilespmem:s19], [sflag:$0x2] =	stream.indirect.gather [hbm4b:s4+s17], $0x60, s31, s17, $0xb8;
	[tilespmem:$0x1EE00] =	vst v63  }
0x36: {  	p0 =	sne.s32 s30, $0x13400;
	_ =	swait.ge [sflag:s20], $0x3000  }
0x37: {  	[sflag:s20] =	ssyncset.done $0x0  }
0x38: {  	s30 =	sadd.s32 $0x13F00, s29;
	[sflag:s20] =	ssyncadd.s32 $0xFFFFD000  }
0x39: {  	[spmem:s2] =	stream.indirect.scatter.add.f32 [tilespmem:s18], [sflag:$0x3], $0x60, s30, s17, $0xb8;
	[tilespmem:$0x1EE00] =	vst v63  }
0x3a: {  	_ =	swait.ge [sflag:s13], $0x3000  }
0x3b: {  	[sflag:s13] =	ssyncset.done $0x0  }
0x3c: {  	s30 =	sadd.s32 $0xF100, s29;
	[sflag:s13] =	ssyncadd.s32 $0xFFFFD000  }
0x3d: {  	[tilespmem:s18], [sflag:$0x1] =	stream.indirect.gather [hbm4b:s4+s17], $0x60, s30, s17, $0xb8;
	[tilespmem:$0x1EE00] =	vst v63  }
0x3e: {  	_ =	swait.ge [sflag:s21], $0x3000  }
.Ltmp0:
0x3f: {  	[sflag:s21] =	ssyncset.done $0x0;
	(pc) =	sbr.rel @p0 .LBB2_2-.Ltmp0, $4  }
0x40: {  	s29 =	sadd.s32 $0x13F80, s29;
	[sflag:s21] =	ssyncadd.s32 $0xFFFFD000  }
0x41: {  	[spmem:s2] =	stream.indirect.scatter.add.f32 [tilespmem:s19], [sflag:$0x3], $0x60, s29, s17, $0xb8;
	[tilespmem:$0x1EE00] =	vst v63  }
0x42: {  	_ =	swait.ge [sflag:s13], $0x3000  }
0x43: {  	s30 =	smov.u32 s1;
	s29 =	sshra.s32 s0, $0x2;
	[sflag:s13] =	ssyncset.done $0x0  }
0x44: {  	s0 =	sadd.s32 $0xF080, s29;
	[sflag:s13] =	ssyncadd.s32 $0xFFFFD000  }
0x45: {  	[tilespmem:s19], [sflag:$0x2] =	stream.indirect.gather [hbm4b:s4+s17], $0x60, s0, s17, $0xb8;
	[tilespmem:$0x1EE00] =	vst v63  }
0x46: {  	_ =	swait.ge [sflag:s20], $0x3000  }
0x47: {  	[sflag:s20] =	ssyncset.done $0x0  }
0x48: {  	s1 =	sadd.s32 $0x13F00, s29;
	[sflag:s20] =	ssyncadd.s32 $0xFFFFD000  }
0x49: {  	[spmem:s2] =	stream.indirect.scatter.add.f32 [tilespmem:s18], [sflag:$0x3], $0x60, s1, s17, $0xb8;
	[tilespmem:$0x1EE00] =	vst v63  }
0x4a: {  	_ =	swait.ge [sflag:s13], $0x3000  }
0x4b: {  	[sflag:s13] =	ssyncset.done $0x0  }
0x4c: {  	s31 =	sadd.s32 $0xF100, s29;
	[sflag:s13] =	ssyncadd.s32 $0xFFFFD000  }
0x4d: {  	[tilespmem:s18], [sflag:$0x1] =	stream.indirect.gather [hbm4b:s4+s17], $0x60, s31, s17, $0xb8;
	[tilespmem:$0x1EE00] =	vst v63  }
0x4e: {  	_ =	swait.ge [sflag:s21], $0x3000  }
0x4f: {  	[sflag:s21] =	ssyncset.done $0x0  }
0x50: {  	s1 =	sadd.s32 $0x13F80, s29;
	[sflag:s21] =	ssyncadd.s32 $0xFFFFD000  }
0x51: {  	[spmem:s2] =	stream.indirect.scatter.add.f32 [tilespmem:s19], [sflag:$0x3], $0x60, s1, s17, $0xb8;
	[tilespmem:$0x1EE00] =	vst v63  }
0x52: {  	_ =	swait.ge [sflag:s13], $0x3000  }
0x53: {  	[sflag:s13] =	ssyncset.done $0x0  }
0x54: {  	[sflag:s13] =	ssyncadd.s32 $0xFFFFD000  }
0x55: {  	[tilespmem:s19], [sflag:$0x2] =	stream.indirect.gather [hbm4b:s4+s17], $0x60, s22, s17, $0xb8;
	[tilespmem:$0x1EE00] =	vst v63  }
0x56: {  	_ =	swait.ge [sflag:s20], $0x3000  }
0x57: {  	[sflag:s20] =	ssyncset.done $0x0  }
0x58: {  	[sflag:s20] =	ssyncadd.s32 $0xFFFFD000  }
0x59: {  	[spmem:s2] =	stream.indirect.scatter.add.f32 [tilespmem:s18], [sflag:$0x3], $0x60, s23, s17, $0xb8;
	[tilespmem:$0x1EE00] =	vst v63  }
0x5a: {  	_ =	swait.ge [sflag:s13], $0x3000  }
0x5b: {  	[sflag:s13] =	ssyncset.done $0x0  }
0x5c: {  	[sflag:s13] =	ssyncadd.s32 $0xFFFFD000  }
0x5d: {  	_ =	swait.ge [sflag:s21], $0x3000  }
0x5e: {  	[sflag:s21] =	ssyncset.done $0x0  }
0x5f: {  	[sflag:s21] =	ssyncadd.s32 $0xFFFFD000  }
0x60: {  	[spmem:s2] =	stream.indirect.scatter.add.f32 [tilespmem:s19], [sflag:$0x3], $0x60, s24, s17, $0xb8;
	[tilespmem:$0x1EE00] =	vst v63  }
0x61: {  	_ =	swait.ge [sflag:s13], $0x3000  }
0x62: {  	[sflag:s13] =	ssyncset.done $0x0  }
0x63: {  	[sflag:s13] =	ssyncadd.s32 $0xFFFFD000  }
0x64: {  	[bflag:$0x0] =	sbarrier.arrive $0xFFFF  }
0x65: {  	[hbm:s8@s25], [sflag:s14] =	dma.strided [spmem:s15@s26], $0x1E00, s20, $0xc   }
0x66: {  	_ =	swait.ge [sflag:s13], $0x1E00  }
0x67: {  	[sflag:s13] =	ssyncset.done $0x0  }
0x68: {  	[sflag:s13] =	ssyncadd.s32 $0xFFFFE200  }
0x69: {  	[bflag:$0x0] =	sbarrier.arrive $0xFFFF  }
0x6a: {  	[spmem:s15], [sflag:s14] =	dma.local [hbm:s5], $0x1E00  }
0x6b: {  	_ =	swait.ge [sflag:s13], $0x1E00  }
0x6c: {  	[sflag:s13] =	ssyncset.done $0x0  }
0x6d: {  	s31 =	simm.s32 $0x0;
	[sflag:s13] =	ssyncadd.s32 $0xFFFFE200  }
0x6e: {  	[tilespmem:s16], [sflag:$0x3] =	stream.linear.gather [hbm4b:s9+s31], $0x4F00, $0x38;
	[tilespmem:$0x1EE00] =	vst v63  }
0x6f: {  	_ =	swait.ge [sflag:s13], $0x4F00  }
0x70: {  	[sflag:s13] =	ssyncset.done $0x0  }
0x71: {  	[sflag:s13] =	ssyncadd.s32 $0xFFFFB100  }
0x72: {  	[bflag:$0x0] =	sbarrier.arrive $0xFFFF  }
0x73: {  	[tilespmem:s18], [sflag:$0x1] =	stream.indirect.gather [hbm4b:s4+s17], $0x60, s16, s17, $0xb8;
	[tilespmem:$0x1EE00] =	vst v63  }
0x74: {  	s1 =	simm.s32 $0xF080  }
0x75: {  	[tilespmem:s19], [sflag:$0x2] =	stream.indirect.gather [hbm4b:s4+s17], $0x60, s1, s17, $0xb8;
	[tilespmem:$0x1EE00] =	vst v63  }
0x76: {  	_ =	swait.ge [sflag:s20], $0x3000  }
0x77: {  	[sflag:s20] =	ssyncset.done $0x0  }
0x78: {  	s31 =	simm.s32 $0x13F00;
	[sflag:s20] =	ssyncadd.s32 $0xFFFFD000  }
0x79: {  	[spmem:s2] =	stream.indirect.scatter.add.f32 [tilespmem:s18], [sflag:$0x3], $0x60, s31, s17, $0xb8;
	[tilespmem:$0x1EE00] =	vst v63  }
0x7a: {  	_ =	swait.ge [sflag:s13], $0x3000  }
0x7b: {  	[sflag:s13] =	ssyncset.done $0x0  }
0x7c: {  	s1 =	simm.s32 $0xF100;
	[sflag:s13] =	ssyncadd.s32 $0xFFFFD000  }
0x7d: {  	[tilespmem:s18], [sflag:$0x1] =	stream.indirect.gather [hbm4b:s4+s17], $0x60, s1, s17, $0xb8;
	[tilespmem:$0x1EE00] =	vst v63  }
0x7e: {  	_ =	swait.ge [sflag:s21], $0x3000  }
0x7f: {  	[sflag:s21] =	ssyncset.done $0x0  }
0x80: {  	s31 =	simm.s32 $0x13F80;
	[sflag:s21] =	ssyncadd.s32 $0xFFFFD000  }
0x81: {  	[spmem:s2] =	stream.indirect.scatter.add.f32 [tilespmem:s19], [sflag:$0x3], $0x60, s31, s17, $0xb8;
	[tilespmem:$0x1EE00] =	vst v63  }
0x82: {  	_ =	swait.ge [sflag:s13], $0x3000  }
0x83: {  	s30 =	simm.s32 $0x800;
	s29 =	simm.s32 $0x100;
	[sflag:s13] =	ssyncset.done $0x0  }
.LBB2_4:
0x84: {  	s0 =	sadd.s32 $0xF080, s29  }
0x85: {  	[sflag:s13] =	ssyncadd.s32 $0xFFFFD000;
	s1 =	smov.u32 s30;
	s31 =	sadd.s32 $0x400, s30  }
0x86: {  	[tilespmem:s19], [sflag:$0x2] =	stream.indirect.gather [hbm4b:s4+s17], $0x60, s0, s17, $0xb8;
	[tilespmem:$0x1EE00] =	vst v63  }
0x87: {  	p0 =	sne.s32 s30, $0x13400;
	_ =	swait.ge [sflag:s20], $0x3000  }
0x88: {  	[sflag:s20] =	ssyncset.done $0x0  }
0x89: {  	s0 =	sadd.s32 $0x13F00, s29;
	[sflag:s20] =	ssyncadd.s32 $0xFFFFD000  }
0x8a: {  	[spmem:s2] =	stream.indirect.scatter.add.f32 [tilespmem:s18], [sflag:$0x3], $0x60, s0, s17, $0xb8;
	[tilespmem:$0x1EE00] =	vst v63  }
0x8b: {  	_ =	swait.ge [sflag:s13], $0x3000  }
0x8c: {  	[sflag:s13] =	ssyncset.done $0x0  }
0x8d: {  	s0 =	sadd.s32 $0xF100, s29;
	[sflag:s13] =	ssyncadd.s32 $0xFFFFD000  }
0x8e: {  	[tilespmem:s18], [sflag:$0x1] =	stream.indirect.gather [hbm4b:s4+s17], $0x60, s0, s17, $0xb8;
	[tilespmem:$0x1EE00] =	vst v63  }
0x8f: {  	_ =	swait.ge [sflag:s21], $0x3000  }
.Ltmp1:
0x90: {  	[sflag:s21] =	ssyncset.done $0x0;
	(pc) =	sbr.rel @p0 .LBB2_4-.Ltmp1, $4  }
0x91: {  	s0 =	sadd.s32 $0x13F80, s29;
	[sflag:s21] =	ssyncadd.s32 $0xFFFFD000  }
0x92: {  	[spmem:s2] =	stream.indirect.scatter.add.f32 [tilespmem:s19], [sflag:$0x3], $0x60, s0, s17, $0xb8;
	[tilespmem:$0x1EE00] =	vst v63  }
0x93: {  	_ =	swait.ge [sflag:s13], $0x3000  }
0x94: {  	s30 =	smov.u32 s31;
	s29 =	sshra.s32 s1, $0x2;
	[sflag:s13] =	ssyncset.done $0x0  }
0x95: {  	s0 =	sadd.s32 $0xF080, s29;
	[sflag:s13] =	ssyncadd.s32 $0xFFFFD000  }
0x96: {  	[tilespmem:s19], [sflag:$0x2] =	stream.indirect.gather [hbm4b:s4+s17], $0x60, s0, s17, $0xb8;
	[tilespmem:$0x1EE00] =	vst v63  }
0x97: {  	_ =	swait.ge [sflag:s20], $0x3000  }
0x98: {  	[sflag:s20] =	ssyncset.done $0x0  }
0x99: {  	s1 =	sadd.s32 $0x13F00, s29;
	[sflag:s20] =	ssyncadd.s32 $0xFFFFD000  }
0x9a: {  	[spmem:s2] =	stream.indirect.scatter.add.f32 [tilespmem:s18], [sflag:$0x3], $0x60, s1, s17, $0xb8;
	[tilespmem:$0x1EE00] =	vst v63  }
0x9b: {  	_ =	swait.ge [sflag:s13], $0x3000  }
0x9c: {  	[sflag:s13] =	ssyncset.done $0x0  }
0x9d: {  	s30 =	sadd.s32 $0xF100, s29;
	[sflag:s13] =	ssyncadd.s32 $0xFFFFD000  }
0x9e: {  	[tilespmem:s18], [sflag:$0x1] =	stream.indirect.gather [hbm4b:s4+s17], $0x60, s30, s17, $0xb8;
	[tilespmem:$0x1EE00] =	vst v63  }
0x9f: {  	_ =	swait.ge [sflag:s21], $0x3000  }
0xa0: {  	[sflag:s21] =	ssyncset.done $0x0  }
0xa1: {  	s31 =	sadd.s32 $0x13F80, s29;
	[sflag:s21] =	ssyncadd.s32 $0xFFFFD000  }
0xa2: {  	[spmem:s2] =	stream.indirect.scatter.add.f32 [tilespmem:s19], [sflag:$0x3], $0x60, s31, s17, $0xb8;
	[tilespmem:$0x1EE00] =	vst v63  }
0xa3: {  	_ =	swait.ge [sflag:s13], $0x3000  }
0xa4: {  	[sflag:s13] =	ssyncset.done $0x0  }
0xa5: {  	[sflag:s13] =	ssyncadd.s32 $0xFFFFD000  }
0xa6: {  	[tilespmem:s19], [sflag:$0x2] =	stream.indirect.gather [hbm4b:s4+s17], $0x60, s22, s17, $0xb8;
	[tilespmem:$0x1EE00] =	vst v63  }
0xa7: {  	_ =	swait.ge [sflag:s20], $0x3000  }
0xa8: {  	[sflag:s20] =	ssyncset.done $0x0  }
0xa9: {  	[sflag:s20] =	ssyncadd.s32 $0xFFFFD000  }
0xaa: {  	[spmem:s2] =	stream.indirect.scatter.add.f32 [tilespmem:s18], [sflag:$0x3], $0x60, s23, s17, $0xb8;
	[tilespmem:$0x1EE00] =	vst v63  }
0xab: {  	_ =	swait.ge [sflag:s13], $0x3000  }
0xac: {  	[sflag:s13] =	ssyncset.done $0x0  }
0xad: {  	[sflag:s13] =	ssyncadd.s32 $0xFFFFD000  }
0xae: {  	_ =	swait.ge [sflag:s21], $0x3000  }
0xaf: {  	[sflag:s21] =	ssyncset.done $0x0  }
0xb0: {  	[sflag:s21] =	ssyncadd.s32 $0xFFFFD000  }
0xb1: {  	[spmem:s2] =	stream.indirect.scatter.add.f32 [tilespmem:s19], [sflag:$0x3], $0x60, s24, s17, $0xb8;
	[tilespmem:$0x1EE00] =	vst v63  }
0xb2: {  	_ =	swait.ge [sflag:s13], $0x3000  }
0xb3: {  	s28 =	sadd.s32 $0x1, s28;
	[sflag:s13] =	ssyncset.done $0x0  }
0xb4: {  	p0 =	sne.s32 s28, s11;
	[sflag:s13] =	ssyncadd.s32 $0xFFFFD000  }
.Ltmp2:
0xb5: {  	[bflag:$0x0] =	sbarrier.arrive $0xFFFF;
	(pc) =	sbr.rel @p0 .LBB2_1-.Ltmp2, $4  }
0xb6: {  	[hbm:s10@s25], [sflag:s14] =	dma.strided [spmem:s15@s26], $0x1E00, s20, $0xc   }
0xb7: {  	_ =	swait.ge [sflag:s13], $0x1E00  }
0xb8: {  	[sflag:s13] =	ssyncset.done $0x0  }
0xb9: {  	[sflag:s13] =	ssyncadd.s32 $0xFFFFE200  }
0xba: {  	_ =	sfence.sel $0x180000  }
0xbb: {  	[bflag:$0x0] =	sbarrier.arrive $0xFFFF  }
0xbc: {  	_ =	strace $0x9000004A  }
0xbd: {  	s0 =	stileid.u32;
	[bflag:$0x2] =	sbarrier.arrive $0xFFFF  }
0xbe: {  	p0 =	sne.s32 s0, $0x0;
	s0 =	rddreg [dreg:$0x2]  }
0xbf: {  	s0 =	sadd.s32 @!p0 $0x100000, s0  }
0xc0: {  	[sflag:s0] =	ssyncadd.tile.s32 @!p0 $0x1;
	_ =	shalt  }
.Lfunc_end2:
_tile_overlayer_lowered:
.L_overlay_start_2:
0xc1: {  	(tag) =	ssettag $0x2  }
0xc2: {  	s0 =	rddreg [dreg:$0x0];
	s2 =	stileid.u32  }
0xc3: {  	s1 =	rddreg [dreg:$0x1];
	p0 =	sne.s32 s2, $0x0  }
0xc4: {  	s3 =	rddreg [dreg:$0x2];
	[bflag:$0x3] =	sbarrier.arrive $0xFFFF;
	s2 =	simm.s32 @!p0 $0x1C03  }
0xc5: {  	[timem:s3], [sflag:s2] =	dma.local @!p0 [hbm:s0], s1  }
0xc6: {  	s0 =	simm.s32 @!p0 $0x3  }
0xc7: {  	_ =	swait.ge @!p0 [sflag:s0], s1  }
0xc8: {  	s1 =	ssub.s32 @!p0 $0x0, s1;
	[sflag:s0] =	ssyncset.done @!p0 $0x0  }
0xc9: {  	[sflag:s0] =	ssyncadd.s32 @!p0 s1  }
0xca: {  	[bflag:$0x3] =	sbarrier.arrive $0xFFFF  }
0xcb: {  	_ =	shalt  }

// kernel: kernel.14.cloned.1.call-start
scs
__scs_entry_jumppad:
0x0: {  	(pc) =	sbr.rel $0x88, $3  }
0x1: {  	(tag) =	ssettag $0x0;
	lr =	simm.s32 $0x1  }
0x2: {  	[smem:$0x3F91] =	sst lr;
	_ =	strace $0xD0000000  }
0x3: {  	_ = 	snop  }
0x4: {  	_ = 	snop  }
0x5: {  	_ = 	snop  }
0x6: {  	_ = 	snop  }
0x7: {  	_ = 	snop  }
__scs_overlays_trampoline_lowered:
0x8: {  	[smem:$0x3FA0] =	sst s0  }
0x9: {  	[smem:$0x3FA1] =	sst s1  }
0xa: {  	[smem:$0x3FA2] =	sst s2  }
0xb: {  	[smem:$0x3FA3] =	sst s3  }
0xc: {  	[smem:$0x3FA4] =	sst s4  }
0xd: {  	[smem:$0x3FA5] =	sst s5  }
0xe: {  	[smem:$0x3FA6] =	sst s6  }
0xf: {  	[smem:$0x3FA7] =	sst s7  }
0x10: {  	[smem:$0x3FA8] =	sst s8  }
0x11: {  	[smem:$0x3FA9] =	sst s9;
	s0 =	simm.s32 @!p0 $0x0  }
0x12: {  	s1 =	sld [smem:$0x3F8F];
	s0 =	simm.s32 @p0 $0x1  }
0x13: {  	[smem:$0x3FAA] =	sst s0;
	s0 =	simm.s32 @!p1 $0x0  }
0x14: {  	s2 =	sld [smem:$0x3F8E];
	s0 =	simm.s32 @p1 $0x1  }
0x15: {  	[smem:$0x3FAB] =	sst s0;
	s0 =	simm.s32 @!p2 $0x0  }
0x16: {  	s3 =	sld [smem:$0x3FDB];
	s0 =	simm.s32 @p2 $0x1  }
0x17: {  	s4 =	simm.s32 $0x1BF5;
	[smem:$0x3FAD] =	sst s0  }
0x18: {  	s0 =	sld [smem:$0x3F90];
	_ =	swait.ge [sflag:s4], $0x0  }
0x19: {  	s7 =	sld [smem:$0x3F91]  }
0x1a: {  	s8 =	sadd.s32 $0xFFFFE003, lr  }
0x1b: {  	s9 =	sadd.s32 $0xFFFFFEF7, lr;
	s5 =	simm.s32 $0xFFFFFFFF;
	p2 =	slt.u32 s8, $0xFFFFF086  }
0x1c: {  	p1 =	slt.u32 s9, $0xF7A;
	s5 =	simm.s32 @!p2 $0x0  }
0x1d: {  	s5 =	simm.s32 @p1 $0x1;
	p0 =	seq.s32 s7, s2  }
0x1e: {  	s7 =	smul.u32 @!p0 $0xF7A, s2;
	p2 =	seq.s32 @!p0 s5, $0x0  }
0x1f: {  	s9 =	smul.u32 $0xF7A, s1;
	s8 =	simm.s32 @!p0 $0x1BF5;
	p2 =	por !p2, p0  }
0x20: {  	[sflag:s8] =	ssyncset.s32 @!p0 $0xFFFFF086;
	s6 =	sadd.s32 @!p0 s3, s7;
	s7 =	simm.s32 @!p0 $0x108  }
0x21: {  	s3 =	sadd.s32 s3, s9;
	s6 =	sadd.s32 @!p0 $0x88, s6;
	s7 =	simm.s32 @p2 $0x1082  }
0x22: {  	[simem:s7], [sflag:s8] =	dma.local @!p0 [hbm:s6], $0xF7A  }
0x23: {  	s9 =	sor.u32 $0xD0000000, s2;
	s6 =	simm.s32 $0x108;
	_ =	swait.ge @!p0 [sflag:s8], $0x0  }
0x24: {  	s3 =	sadd.s32 $0x88, s3;
	s6 =	simm.s32 @!p1 $0x1082;
	[sflag:s4] =	ssyncset.s32 $0xFFFFF086  }
0x25: {  	[simem:s6], [sflag:s4] =	dma.local [hbm:s3], $0xF7A  }
0x26: {  	[smem:$0x3F91] =	sst s1;
	(tag) =	ssettag s2;
	_ =	strace s9  }
0x27: {  	s1 =	sld [smem:$0x3FA1]  }
0x28: {  	s2 =	sld [smem:$0x3FA2]  }
0x29: {  	s4 =	sld [smem:$0x3FA4]  }
0x2a: {  	p0 =	seq.s32 s5, $0x0;
	s5 =	sld [smem:$0x3FA5]  }
0x2b: {  	s6 =	sld [smem:$0x3FA6]  }
0x2c: {  	s7 =	sld [smem:$0x3FA7]  }
0x2d: {  	s3 =	simm.s32 $0x108;
	s8 =	sld [smem:$0x3FA8]  }
0x2e: {  	s3 =	simm.s32 @!p0 $0x1082;
	s9 =	sld [smem:$0x3FA9]  }
0x2f: {  	lr =	sadd.s32 s0, s3;
	s0 =	sld [smem:$0x3FA0]  }
0x30: {  	s3 =	sld [smem:$0x3FA3]  }
0x31: {  	[smem:$0x3FAC] =	sst s10  }
0x32: {  	s10 =	sld [smem:$0x3FAA];
	_ =	sdelay $0x3  }
0x33: {  	p0 =	seq.s32 s10, $0x1;
	s10 =	sld [smem:$0x3FAC];
	_ =	sdelay $0x3  }
0x34: {  	[smem:$0x3FAC] =	sst s10  }
0x35: {  	s10 =	sld [smem:$0x3FAB];
	_ =	sdelay $0x3  }
0x36: {  	p1 =	seq.s32 s10, $0x1;
	s10 =	sld [smem:$0x3FAC];
	_ =	sdelay $0x3  }
0x37: {  	[smem:$0x3FAC] =	sst s10  }
0x38: {  	s10 =	sld [smem:$0x3FAD]  }
0x39: {  	_ = 	snop;
	(pc) =	sbr.ind lr, $3  }
0x3a: {  	_ = 	snop  }
0x3b: {  	_ = 	snop  }
0x3c: {  	p2 =	seq.s32 s10, $0x1;
	s10 =	sld [smem:$0x3FAC]  }
0x3d: {  	_ =	shalt  }
0x3e: {  	_ =	shalt  }
0x3f: {  	_ =	shalt  }
0x40: {  	_ =	shalt  }
0x41: {  	_ =	shalt  }
0x42: {  	_ =	shalt  }
0x43: {  	_ =	shalt  }
0x44: {  	_ =	shalt  }
0x45: {  	_ =	shalt  }
0x46: {  	_ =	shalt  }
0x47: {  	_ =	shalt  }
0x48: {  	_ =	shalt  }
0x49: {  	_ =	shalt  }
0x4a: {  	_ =	shalt  }
0x4b: {  	_ =	shalt  }
0x4c: {  	_ =	shalt  }
0x4d: {  	_ =	shalt  }
0x4e: {  	_ =	shalt  }
0x4f: {  	_ =	shalt  }
0x50: {  	_ =	shalt  }
0x51: {  	_ =	shalt  }
0x52: {  	_ =	shalt  }
0x53: {  	_ =	shalt  }
0x54: {  	_ =	shalt  }
0x55: {  	_ =	shalt  }
0x56: {  	_ =	shalt  }
0x57: {  	_ =	shalt  }
0x58: {  	_ =	shalt  }
0x59: {  	_ =	shalt  }
0x5a: {  	_ =	shalt  }
0x5b: {  	_ =	shalt  }
0x5c: {  	_ =	shalt  }
0x5d: {  	_ =	shalt  }
0x5e: {  	_ =	shalt  }
0x5f: {  	_ =	shalt  }
0x60: {  	_ =	shalt  }
0x61: {  	_ =	shalt  }
0x62: {  	_ =	shalt  }
0x63: {  	_ =	shalt  }
0x64: {  	_ =	shalt  }
0x65: {  	_ =	shalt  }
0x66: {  	_ =	shalt  }
0x67: {  	_ =	shalt  }
0x68: {  	_ =	shalt  }
0x69: {  	_ =	shalt  }
0x6a: {  	_ =	shalt  }
0x6b: {  	_ =	shalt  }
0x6c: {  	_ =	shalt  }
0x6d: {  	_ =	shalt  }
0x6e: {  	_ =	shalt  }
0x6f: {  	_ =	shalt  }
0x70: {  	_ =	shalt  }
0x71: {  	_ =	shalt  }
0x72: {  	_ =	shalt  }
0x73: {  	_ =	shalt  }
0x74: {  	_ =	shalt  }
0x75: {  	_ =	shalt  }
0x76: {  	_ =	shalt  }
0x77: {  	_ =	shalt  }
0x78: {  	_ =	shalt  }
0x79: {  	_ =	shalt  }
0x7a: {  	_ =	shalt  }
0x7b: {  	_ =	shalt  }
0x7c: {  	_ =	shalt  }
0x7d: {  	_ =	shalt  }
0x7e: {  	_ =	shalt  }
0x7f: {  	_ =	shalt  }
0x80: {  	_ =	shalt  }
0x81: {  	_ =	shalt  }
0x82: {  	_ =	shalt  }
0x83: {  	_ =	shalt  }
0x84: {  	_ =	shalt  }
0x85: {  	_ =	shalt  }
0x86: {  	_ =	shalt  }
0x87: {  	_ =	shalt  }
.Lfunc_end0:
.L_simem_size_0:
called_computation.2_lowered:
.L_overlay_start_0:
0x88: {  	s2 =	sld [smem:$0x3FD9]  }
0x89: {  	s3 =	sld [smem:$0x3FFE];
	_ =	sdelay $0x1  }
0x8a: {  	s1 =	srdreg.scid  }
0x8b: {  	s0 =	sand.u32 $0x1, s1  }
0x8c: {  	s16 =	sshll.u32 s0, $0xA;
	s2 =	sadd.s32 s3, s2  }
0x8d: {  	s2 =	sadd.s32 s2, s16  }
0x8e: {  	[smem:$0x3FB8] =	sst s2  }
0x8f: {  	_ = 	snop  }
0x90: {  	(tm) =	ssettm $0x1  }
0x91: {  	s17 =	sld [smem:$0x3FFB];
	_ =	sdelay $0x3  }
0x92: {  	_ =	strace s17  }
0x93: {  	s2 =	sld [smem:$0x3FFC];
	_ =	sdelay $0x3  }
0x94: {  	_ =	strace s2  }
0x95: {  	s2 =	sld [smem:$0x3FFD];
	_ =	sdelay $0x3  }
0x96: {  	_ =	strace s2  }
0x97: {  	_ =	strace $0x8FFFFFFF  }
0x98: {  	s18 =	sld [smem:$0x3FDB];
	_ =	sdelay $0x1  }
0x99: {  	s19 =	simm.s32 $_scs_section_size  }
0x9a: {  	s4 =	simm.s32 $_size__tile_overlayer_lowered;
	s5 =	simm.s32 $_tile_overlayer_lowered  }
0x9b: {  	s22 =	simm.s32 $0x1BFF;
	s21 =	sshll.u32 s5, $0x1;
	s2 =	sadd.s32 s19, s18  }
0x9c: {  	s6 =	simm.s32 $0x0;
	s20 =	sshll.u32 s4, $0x1;
	s4 =	sadd.s32 s21, s2  }
0x9d: {  	[timem:s6], [sflag:s22] =	dma.local [hbm:s4], s20  }
0x9e: {  	_ =	swait.ge [sflag:s22], s20  }
0x9f: {  	s3 =	ssub.s32 $0x0, s20;
	[sflag:s22] =	ssyncset.done $0x0  }
0xa0: {  	[sflag:s22] =	ssyncadd.s32 s3;
	_ =	sdelay $0x1  }
0xa1: {  	s23 =	simm.s32 $0x1B8B  }
0xa2: {  	_ =	swait.ge [sflag:s23], $0x1  }
0xa3: {  	[sflag:s23] =	ssyncset.done $0x0  }
0xa4: {  	s25 =	simm.s32 $0x1B8E;
	s24 =	sld [smem:$0x3FFE];
	[sflag:s23] =	ssyncadd.s32 $0xFFFFFFFF  }
0xa5: {  	s26 =	simm.s32 $execute0_lowered;
	[smem:$0x3FD2] =	sst s25  }
0xa6: {  	s4 =	sshll.u32 s26, $0x1;
	_ =	strace $0x8000004C;
	[dreg:$0x1] =	wrdreg $0xFFFFFFFF  }
0xa7: {  	s28 =	simm.s32 $_size_execute0_lowered;
	s2 =	sadd.s32 s2, s4;
	[dreg:$0x0] =	wrdreg $0x0  }
0xa8: {  	s4 =	sshll.u32 s28, $0x1;
	[dreg:$0x2] =	wrdreg s2  }
0xa9: {  	[dreg:$0x3] =	wrdreg s4  }
0xaa: {  	[dreg:$0x4] =	wrdreg $0xC0  }
0xab: {  	_ =	task [dreg:s6], $0x5FFFF  }
0xac: {  	[dreg:$0x1] =	wrdreg $0xFFFFFFFF  }
0xad: {  	[dreg:$0x0] =	wrdreg $0x60  }
0xae: {  	[dreg:$0x2] =	wrdreg s24  }
0xaf: {  	[dreg:$0x3] =	wrdreg $0x0  }
0xb0: {  	[dreg:$0x4] =	wrdreg $0x9  }
0xb1: {  	_ =	task.clear_ibuf [dreg:s6], $0x5FFFF;
	_ =	strace $0x9000004C  }
0xb2: {  	s29 =	simm.s32 $0x9;
	_ =	strace $0x8000004E  }
0xb3: {  	_ =	swait.ge [sflag:s29], $0x1  }
0xb4: {  	[sflag:s29] =	ssyncadd.s32 $0xFFFFFFFF  }
0xb5: {  	_ =	strace $0x9000004E  }
0xb6: {  	_ =	sfence  }
0xb7: {  	s30 =	sld [smem:$0x0];
	_ =	sdelay $0x2  }
0xb8: {  	s31 =	sshll.u32 s1, $0xD;
	s1 =	sshrl.u32 s1, $0x2  }
0xb9: {  	s3 =	sand.u32 $0x4000, s31;
	s1 =	sadd.s32 s1, s30  }
0xba: {  	s0 =	sor.u32 s3, s0;
	s1 =	sshll.u32 s1, $0x11  }
0xbb: {  	s0 =	sor.u32 s1, s0  }
0xbc: {  	s0 =	sadd.s32 $0x8F2B, s0  }
0xbd: {  	[sflag:s0] =	ssyncadd.remote.s32 $0x1  }
0xbe: {  	_ =	sfence.sel $0xFFFF  }
0xbf: {  	[dreg:$0x0] =	wrdreg $0xFFFFFFFF;
	(pc) =	sbr.abs _section_cstart, $3  }
0xc0: {  	[dreg:$0x1] =	wrdreg $0xFFFFFFFF  }
0xc1: {  	_ =	task.clear_ibuf [dreg:s6], $0x2FFFF;
	_ =	strace $0x9FFFFFFF  }
0xc2: {  	(tm) =	ssettm $0x7FFFFFFF  }
0xc3: {  	_ =	shalt  }
tec
execute0_lowered:
.L_overlay_start_1:
0x0: {  	(tag) =	ssettag $0x1  }
0x1: {  	s6 =	rddreg [dreg:$0x0]  }
0x2: {  	s2 =	rddreg [dreg:$0x1];
	s0 =	stileid.u32  }
0x3: {  	s3 =	simm.s32 $0x0;
	s10 =	srdreg.scid;
	s18 =	simm.s32 $0x18E00  }
0x4: {  	s19 =	simm.s32 $0x1BE00;
	s20 =	simm.s32 $0x1;
	s21 =	simm.s32 $0x2  }
0x5: {  	s22 =	simm.s32 $0x13E80;
	s23 =	simm.s32 $0x18D00;
	s24 =	simm.s32 $0x18D80  }
0x6: {  	s28 =	simm.s32 $0x0;
	s8 =	smul.u32 $0x4F00, s0;
	[smem:$0x7FF] =	sst s3  }
0x7: {  	s4 =	sadd.s32 $0x99000, s6;
	s9 =	sadd.s32 $0x71800, s6;
	s10 =	sand.u32 $0x1, s10  }
0x8: {  	s11 =	smul.u32 $0x3C000, s0;
	s12 =	sadd.s32 $0x111000, s6;
	s31 =	sshll.u32 s0, $0x6  }
0x9: {  	_ =	strace $0x8000004D;
	s25 =	ssub.s32 $0x2, s10;
	s13 =	smul.u32 $0x9E000, s10  }
0xa: {  	s15 =	smul.u32 $0xC0, s10;
	s10 =	sshllo.u32 s10, $0x1;
	s5 =	sshrl.u32 s8, $0x3  }
0xb: {  	s14 =	sshrl.u32 s25, $0x1;
	s29 =	smul.u32 $0x4F000, s10;
	s16 =	sshrl.u32 s11, $0x2  }
0xc: {  	s10 =	smul.u32 $0x60, s10;
	s7 =	sadd.s32 s5, s6;
	s5 =	sadd.s32 $0x2A00, s6  }
0xd: {  	s14 =	ssub.s32 s25, s14;
	s26 =	sadd.s32 s8, s13;
	s16 =	sadd.s32 s16, s2  }
0xe: {  	s15 =	sor.u32 s15, s11;
	s25 =	simm.s32 $0x30;
	s17 =	sshrl.u32 s26, $0x3  }
0xf: {  	s6 =	sadd.s32 $0x16600, s7;
	s8 =	sadd.s32 s8, s29;
	s10 =	sor.u32 s11, s10  }
0x10: {  	s30 =	sshrl.u32 s15, $0x3;
	s11 =	smax.u32 s14, $0x1;
	s14 =	sor.u32 $0x1C03, s31  }
0x11: {  	s15 =	sshrl.u32 s16, $0x3;
	s16 =	simm.s32 $0xF000;
	s26 =	simm.s32 $0xC  }
0x12: {  	s7 =	sadd.s32 s9, s17;
	s13 =	sshrl.u32 s8, $0x3;
	s10 =	sshrl.u32 s10, $0x3  }
0x13: {  	s8 =	sadd.s32 s12, s30;
	s17 =	simm.s32 $0x80;
	s9 =	sadd.s32 s9, s13  }
0x14: {  	s10 =	sadd.s32 s12, s10;
	s12 =	simm.s32 $0x13F00;
	s13 =	simm.s32 $0x3  }
.LBB2_1:
0x15: {  	[tilespmem:s12], [sflag:$0x3] =	stream.linear.gather [hbm4b:s6+s3], $0x4F00, $0x38;
	[tilespmem:$0x1EE00] =	vst v63  }
0x16: {  	_ =	swait.ge [sflag:s13], $0x4F00  }
0x17: {  	[sflag:s13] =	ssyncset.done $0x0  }
0x18: {  	[sflag:s13] =	ssyncadd.s32 $0xFFFFB100  }
0x19: {  	[spmem:s15], [sflag:s14] =	dma.local [hbm:s5], $0x1E00  }
0x1a: {  	_ =	swait.ge [sflag:s13], $0x1E00  }
0x1b: {  	[sflag:s13] =	ssyncset.done $0x0  }
0x1c: {  	[sflag:s13] =	ssyncadd.s32 $0xFFFFE200  }
0x1d: {  	[tilespmem:s16], [sflag:$0x3] =	stream.linear.gather [hbm4b:s7+s3], $0x4F00, $0x38;
	[tilespmem:$0x1EE00] =	vst v63  }
0x1e: {  	_ =	swait.ge [sflag:s13], $0x4F00  }
0x1f: {  	[sflag:s13] =	ssyncset.done $0x0  }
0x20: {  	[sflag:s13] =	ssyncadd.s32 $0xFFFFB100  }
0x21: {  	[bflag:$0x0] =	sbarrier.arrive $0xFFFF  }
0x22: {  	[tilespmem:s18], [sflag:$0x1] =	stream.indirect.gather [hbm4b:s4+s17], $0x60, s16, s17, $0xb8;
	[tilespmem:$0x1EE00] =	vst v63  }
0x23: {  	s29 =	simm.s32 $0xF080  }
0x24: {  	[tilespmem:s19], [sflag:$0x2] =	stream.indirect.gather [hbm4b:s4+s17], $0x60, s29, s17, $0xb8;
	[tilespmem:$0x1EE00] =	vst v63  }
0x25: {  	_ =	swait.ge [sflag:s20], $0x3000  }
0x26: {  	[sflag:s20] =	ssyncset.done $0x0  }
0x27: {  	s29 =	simm.s32 $0x13F00;
	[sflag:s20] =	ssyncadd.s32 $0xFFFFD000  }
0x28: {  	[spmem:s2] =	stream.indirect.scatter.add.f32 [tilespmem:s18], [sflag:$0x3], $0x60, s29, s17, $0xb8;
	[tilespmem:$0x1EE00] =	vst v63  }
0x29: {  	_ =	swait.ge [sflag:s13], $0x3000  }
0x2a: {  	[sflag:s13] =	ssyncset.done $0x0  }
0x2b: {  	s29 =	simm.s32 $0xF100;
	[sflag:s13] =	ssyncadd.s32 $0xFFFFD000  }
0x2c: {  	[tilespmem:s18], [sflag:$0x1] =	stream.indirect.gather [hbm4b:s4+s17], $0x60, s29, s17, $0xb8;
	[tilespmem:$0x1EE00] =	vst v63  }
0x2d: {  	_ =	swait.ge [sflag:s21], $0x3000  }
0x2e: {  	[sflag:s21] =	ssyncset.done $0x0  }
0x2f: {  	s29 =	simm.s32 $0x13F80;
	[sflag:s21] =	ssyncadd.s32 $0xFFFFD000  }
0x30: {  	[spmem:s2] =	stream.indirect.scatter.add.f32 [tilespmem:s19], [sflag:$0x3], $0x60, s29, s17, $0xb8;
	[tilespmem:$0x1EE00] =	vst v63  }
0x31: {  	_ =	swait.ge [sflag:s13], $0x3000  }
0x32: {  	s30 =	simm.s32 $0x800;
	s29 =	simm.s32 $0x100;
	[sflag:s13] =	ssyncset.done $0x0  }
.LBB2_2:
0x33: {  	s31 =	sadd.s32 $0xF080, s29  }
0x34: {  	[sflag:s13] =	ssyncadd.s32 $0xFFFFD000;
	s0 =	smov.u32 s30;
	s1 =	sadd.s32 $0x400, s30  }
0x35: {  	[tilespmem:s19], [sflag:$0x2] =	stream.indirect.gather [hbm4b:s4+s17], $0x60, s31, s17, $0xb8;
	[tilespmem:$0x1EE00] =	vst v63  }
0x36: {  	p0 =	sne.s32 s30, $0x13400;
	_ =	swait.ge [sflag:s20], $0x3000  }
0x37: {  	[sflag:s20] =	ssyncset.done $0x0  }
0x38: {  	s30 =	sadd.s32 $0x13F00, s29;
	[sflag:s20] =	ssyncadd.s32 $0xFFFFD000  }
0x39: {  	[spmem:s2] =	stream.indirect.scatter.add.f32 [tilespmem:s18], [sflag:$0x3], $0x60, s30, s17, $0xb8;
	[tilespmem:$0x1EE00] =	vst v63  }
0x3a: {  	_ =	swait.ge [sflag:s13], $0x3000  }
0x3b: {  	[sflag:s13] =	ssyncset.done $0x0  }
0x3c: {  	s30 =	sadd.s32 $0xF100, s29;
	[sflag:s13] =	ssyncadd.s32 $0xFFFFD000  }
0x3d: {  	[tilespmem:s18], [sflag:$0x1] =	stream.indirect.gather [hbm4b:s4+s17], $0x60, s30, s17, $0xb8;
	[tilespmem:$0x1EE00] =	vst v63  }
0x3e: {  	_ =	swait.ge [sflag:s21], $0x3000  }
.Ltmp0:
0x3f: {  	[sflag:s21] =	ssyncset.done $0x0;
	(pc) =	sbr.rel @p0 .LBB2_2-.Ltmp0, $4  }
0x40: {  	s29 =	sadd.s32 $0x13F80, s29;
	[sflag:s21] =	ssyncadd.s32 $0xFFFFD000  }
0x41: {  	[spmem:s2] =	stream.indirect.scatter.add.f32 [tilespmem:s19], [sflag:$0x3], $0x60, s29, s17, $0xb8;
	[tilespmem:$0x1EE00] =	vst v63  }
0x42: {  	_ =	swait.ge [sflag:s13], $0x3000  }
0x43: {  	s30 =	smov.u32 s1;
	s29 =	sshra.s32 s0, $0x2;
	[sflag:s13] =	ssyncset.done $0x0  }
0x44: {  	s0 =	sadd.s32 $0xF080, s29;
	[sflag:s13] =	ssyncadd.s32 $0xFFFFD000  }
0x45: {  	[tilespmem:s19], [sflag:$0x2] =	stream.indirect.gather [hbm4b:s4+s17], $0x60, s0, s17, $0xb8;
	[tilespmem:$0x1EE00] =	vst v63  }
0x46: {  	_ =	swait.ge [sflag:s20], $0x3000  }
0x47: {  	[sflag:s20] =	ssyncset.done $0x0  }
0x48: {  	s1 =	sadd.s32 $0x13F00, s29;
	[sflag:s20] =	ssyncadd.s32 $0xFFFFD000  }
0x49: {  	[spmem:s2] =	stream.indirect.scatter.add.f32 [tilespmem:s18], [sflag:$0x3], $0x60, s1, s17, $0xb8;
	[tilespmem:$0x1EE00] =	vst v63  }
0x4a: {  	_ =	swait.ge [sflag:s13], $0x3000  }
0x4b: {  	[sflag:s13] =	ssyncset.done $0x0  }
0x4c: {  	s31 =	sadd.s32 $0xF100, s29;
	[sflag:s13] =	ssyncadd.s32 $0xFFFFD000  }
0x4d: {  	[tilespmem:s18], [sflag:$0x1] =	stream.indirect.gather [hbm4b:s4+s17], $0x60, s31, s17, $0xb8;
	[tilespmem:$0x1EE00] =	vst v63  }
0x4e: {  	_ =	swait.ge [sflag:s21], $0x3000  }
0x4f: {  	[sflag:s21] =	ssyncset.done $0x0  }
0x50: {  	s1 =	sadd.s32 $0x13F80, s29;
	[sflag:s21] =	ssyncadd.s32 $0xFFFFD000  }
0x51: {  	[spmem:s2] =	stream.indirect.scatter.add.f32 [tilespmem:s19], [sflag:$0x3], $0x60, s1, s17, $0xb8;
	[tilespmem:$0x1EE00] =	vst v63  }
0x52: {  	_ =	swait.ge [sflag:s13], $0x3000  }
0x53: {  	[sflag:s13] =	ssyncset.done $0x0  }
0x54: {  	[sflag:s13] =	ssyncadd.s32 $0xFFFFD000  }
0x55: {  	[tilespmem:s19], [sflag:$0x2] =	stream.indirect.gather [hbm4b:s4+s17], $0x60, s22, s17, $0xb8;
	[tilespmem:$0x1EE00] =	vst v63  }
0x56: {  	_ =	swait.ge [sflag:s20], $0x3000  }
0x57: {  	[sflag:s20] =	ssyncset.done $0x0  }
0x58: {  	[sflag:s20] =	ssyncadd.s32 $0xFFFFD000  }
0x59: {  	[spmem:s2] =	stream.indirect.scatter.add.f32 [tilespmem:s18], [sflag:$0x3], $0x60, s23, s17, $0xb8;
	[tilespmem:$0x1EE00] =	vst v63  }
0x5a: {  	_ =	swait.ge [sflag:s13], $0x3000  }
0x5b: {  	[sflag:s13] =	ssyncset.done $0x0  }
0x5c: {  	[sflag:s13] =	ssyncadd.s32 $0xFFFFD000  }
0x5d: {  	_ =	swait.ge [sflag:s21], $0x3000  }
0x5e: {  	[sflag:s21] =	ssyncset.done $0x0  }
0x5f: {  	[sflag:s21] =	ssyncadd.s32 $0xFFFFD000  }
0x60: {  	[spmem:s2] =	stream.indirect.scatter.add.f32 [tilespmem:s19], [sflag:$0x3], $0x60, s24, s17, $0xb8;
	[tilespmem:$0x1EE00] =	vst v63  }
0x61: {  	_ =	swait.ge [sflag:s13], $0x3000  }
0x62: {  	[sflag:s13] =	ssyncset.done $0x0  }
0x63: {  	[sflag:s13] =	ssyncadd.s32 $0xFFFFD000  }
0x64: {  	[bflag:$0x0] =	sbarrier.arrive $0xFFFF  }
0x65: {  	[hbm:s8@s25], [sflag:s14] =	dma.strided [spmem:s15@s26], $0x1E00, s20, $0xc   }
0x66: {  	_ =	swait.ge [sflag:s13], $0x1E00  }
0x67: {  	[sflag:s13] =	ssyncset.done $0x0  }
0x68: {  	[sflag:s13] =	ssyncadd.s32 $0xFFFFE200  }
0x69: {  	[bflag:$0x0] =	sbarrier.arrive $0xFFFF  }
0x6a: {  	[spmem:s15], [sflag:s14] =	dma.local [hbm:s5], $0x1E00  }
0x6b: {  	_ =	swait.ge [sflag:s13], $0x1E00  }
0x6c: {  	[sflag:s13] =	ssyncset.done $0x0  }
0x6d: {  	s31 =	simm.s32 $0x0;
	[sflag:s13] =	ssyncadd.s32 $0xFFFFE200  }
0x6e: {  	[tilespmem:s16], [sflag:$0x3] =	stream.linear.gather [hbm4b:s9+s31], $0x4F00, $0x38;
	[tilespmem:$0x1EE00] =	vst v63  }
0x6f: {  	_ =	swait.ge [sflag:s13], $0x4F00  }
0x70: {  	[sflag:s13] =	ssyncset.done $0x0  }
0x71: {  	[sflag:s13] =	ssyncadd.s32 $0xFFFFB100  }
0x72: {  	[bflag:$0x0] =	sbarrier.arrive $0xFFFF  }
0x73: {  	[tilespmem:s18], [sflag:$0x1] =	stream.indirect.gather [hbm4b:s4+s17], $0x60, s16, s17, $0xb8;
	[tilespmem:$0x1EE00] =	vst v63  }
0x74: {  	s1 =	simm.s32 $0xF080  }
0x75: {  	[tilespmem:s19], [sflag:$0x2] =	stream.indirect.gather [hbm4b:s4+s17], $0x60, s1, s17, $0xb8;
	[tilespmem:$0x1EE00] =	vst v63  }
0x76: {  	_ =	swait.ge [sflag:s20], $0x3000  }
0x77: {  	[sflag:s20] =	ssyncset.done $0x0  }
0x78: {  	s31 =	simm.s32 $0x13F00;
	[sflag:s20] =	ssyncadd.s32 $0xFFFFD000  }
0x79: {  	[spmem:s2] =	stream.indirect.scatter.add.f32 [tilespmem:s18], [sflag:$0x3], $0x60, s31, s17, $0xb8;
	[tilespmem:$0x1EE00] =	vst v63  }
0x7a: {  	_ =	swait.ge [sflag:s13], $0x3000  }
0x7b: {  	[sflag:s13] =	ssyncset.done $0x0  }
0x7c: {  	s1 =	simm.s32 $0xF100;
	[sflag:s13] =	ssyncadd.s32 $0xFFFFD000  }
0x7d: {  	[tilespmem:s18], [sflag:$0x1] =	stream.indirect.gather [hbm4b:s4+s17], $0x60, s1, s17, $0xb8;
	[tilespmem:$0x1EE00] =	vst v63  }
0x7e: {  	_ =	swait.ge [sflag:s21], $0x3000  }
0x7f: {  	[sflag:s21] =	ssyncset.done $0x0  }
0x80: {  	s31 =	simm.s32 $0x13F80;
	[sflag:s21] =	ssyncadd.s32 $0xFFFFD000  }
0x81: {  	[spmem:s2] =	stream.indirect.scatter.add.f32 [tilespmem:s19], [sflag:$0x3], $0x60, s31, s17, $0xb8;
	[tilespmem:$0x1EE00] =	vst v63  }
0x82: {  	_ =	swait.ge [sflag:s13], $0x3000  }
0x83: {  	s30 =	simm.s32 $0x800;
	s29 =	simm.s32 $0x100;
	[sflag:s13] =	ssyncset.done $0x0  }
.LBB2_4:
0x84: {  	s0 =	sadd.s32 $0xF080, s29  }
0x85: {  	[sflag:s13] =	ssyncadd.s32 $0xFFFFD000;
	s1 =	smov.u32 s30;
	s31 =	sadd.s32 $0x400, s30  }
0x86: {  	[tilespmem:s19], [sflag:$0x2] =	stream.indirect.gather [hbm4b:s4+s17], $0x60, s0, s17, $0xb8;
	[tilespmem:$0x1EE00] =	vst v63  }
0x87: {  	p0 =	sne.s32 s30, $0x13400;
	_ =	swait.ge [sflag:s20], $0x3000  }
0x88: {  	[sflag:s20] =	ssyncset.done $0x0  }
0x89: {  	s0 =	sadd.s32 $0x13F00, s29;
	[sflag:s20] =	ssyncadd.s32 $0xFFFFD000  }
0x8a: {  	[spmem:s2] =	stream.indirect.scatter.add.f32 [tilespmem:s18], [sflag:$0x3], $0x60, s0, s17, $0xb8;
	[tilespmem:$0x1EE00] =	vst v63  }
0x8b: {  	_ =	swait.ge [sflag:s13], $0x3000  }
0x8c: {  	[sflag:s13] =	ssyncset.done $0x0  }
0x8d: {  	s0 =	sadd.s32 $0xF100, s29;
	[sflag:s13] =	ssyncadd.s32 $0xFFFFD000  }
0x8e: {  	[tilespmem:s18], [sflag:$0x1] =	stream.indirect.gather [hbm4b:s4+s17], $0x60, s0, s17, $0xb8;
	[tilespmem:$0x1EE00] =	vst v63  }
0x8f: {  	_ =	swait.ge [sflag:s21], $0x3000  }
.Ltmp1:
0x90: {  	[sflag:s21] =	ssyncset.done $0x0;
	(pc) =	sbr.rel @p0 .LBB2_4-.Ltmp1, $4  }
0x91: {  	s0 =	sadd.s32 $0x13F80, s29;
	[sflag:s21] =	ssyncadd.s32 $0xFFFFD000  }
0x92: {  	[spmem:s2] =	stream.indirect.scatter.add.f32 [tilespmem:s19], [sflag:$0x3], $0x60, s0, s17, $0xb8;
	[tilespmem:$0x1EE00] =	vst v63  }
0x93: {  	_ =	swait.ge [sflag:s13], $0x3000  }
0x94: {  	s30 =	smov.u32 s31;
	s29 =	sshra.s32 s1, $0x2;
	[sflag:s13] =	ssyncset.done $0x0  }
0x95: {  	s0 =	sadd.s32 $0xF080, s29;
	[sflag:s13] =	ssyncadd.s32 $0xFFFFD000  }
0x96: {  	[tilespmem:s19], [sflag:$0x2] =	stream.indirect.gather [hbm4b:s4+s17], $0x60, s0, s17, $0xb8;
	[tilespmem:$0x1EE00] =	vst v63  }
0x97: {  	_ =	swait.ge [sflag:s20], $0x3000  }
0x98: {  	[sflag:s20] =	ssyncset.done $0x0  }
0x99: {  	s1 =	sadd.s32 $0x13F00, s29;
	[sflag:s20] =	ssyncadd.s32 $0xFFFFD000  }
0x9a: {  	[spmem:s2] =	stream.indirect.scatter.add.f32 [tilespmem:s18], [sflag:$0x3], $0x60, s1, s17, $0xb8;
	[tilespmem:$0x1EE00] =	vst v63  }
0x9b: {  	_ =	swait.ge [sflag:s13], $0x3000  }
0x9c: {  	[sflag:s13] =	ssyncset.done $0x0  }
0x9d: {  	s30 =	sadd.s32 $0xF100, s29;
	[sflag:s13] =	ssyncadd.s32 $0xFFFFD000  }
0x9e: {  	[tilespmem:s18], [sflag:$0x1] =	stream.indirect.gather [hbm4b:s4+s17], $0x60, s30, s17, $0xb8;
	[tilespmem:$0x1EE00] =	vst v63  }
0x9f: {  	_ =	swait.ge [sflag:s21], $0x3000  }
0xa0: {  	[sflag:s21] =	ssyncset.done $0x0  }
0xa1: {  	s31 =	sadd.s32 $0x13F80, s29;
	[sflag:s21] =	ssyncadd.s32 $0xFFFFD000  }
0xa2: {  	[spmem:s2] =	stream.indirect.scatter.add.f32 [tilespmem:s19], [sflag:$0x3], $0x60, s31, s17, $0xb8;
	[tilespmem:$0x1EE00] =	vst v63  }
0xa3: {  	_ =	swait.ge [sflag:s13], $0x3000  }
0xa4: {  	[sflag:s13] =	ssyncset.done $0x0  }
0xa5: {  	[sflag:s13] =	ssyncadd.s32 $0xFFFFD000  }
0xa6: {  	[tilespmem:s19], [sflag:$0x2] =	stream.indirect.gather [hbm4b:s4+s17], $0x60, s22, s17, $0xb8;
	[tilespmem:$0x1EE00] =	vst v63  }
0xa7: {  	_ =	swait.ge [sflag:s20], $0x3000  }
0xa8: {  	[sflag:s20] =	ssyncset.done $0x0  }
0xa9: {  	[sflag:s20] =	ssyncadd.s32 $0xFFFFD000  }
0xaa: {  	[spmem:s2] =	stream.indirect.scatter.add.f32 [tilespmem:s18], [sflag:$0x3], $0x60, s23, s17, $0xb8;
	[tilespmem:$0x1EE00] =	vst v63  }
0xab: {  	_ =	swait.ge [sflag:s13], $0x3000  }
0xac: {  	[sflag:s13] =	ssyncset.done $0x0  }
0xad: {  	[sflag:s13] =	ssyncadd.s32 $0xFFFFD000  }
0xae: {  	_ =	swait.ge [sflag:s21], $0x3000  }
0xaf: {  	[sflag:s21] =	ssyncset.done $0x0  }
0xb0: {  	[sflag:s21] =	ssyncadd.s32 $0xFFFFD000  }
0xb1: {  	[spmem:s2] =	stream.indirect.scatter.add.f32 [tilespmem:s19], [sflag:$0x3], $0x60, s24, s17, $0xb8;
	[tilespmem:$0x1EE00] =	vst v63  }
0xb2: {  	_ =	swait.ge [sflag:s13], $0x3000  }
0xb3: {  	s28 =	sadd.s32 $0x1, s28;
	[sflag:s13] =	ssyncset.done $0x0  }
0xb4: {  	p0 =	sne.s32 s28, s11;
	[sflag:s13] =	ssyncadd.s32 $0xFFFFD000  }
.Ltmp2:
0xb5: {  	[bflag:$0x0] =	sbarrier.arrive $0xFFFF;
	(pc) =	sbr.rel @p0 .LBB2_1-.Ltmp2, $4  }
0xb6: {  	[hbm:s10@s25], [sflag:s14] =	dma.strided [spmem:s15@s26], $0x1E00, s20, $0xc   }
0xb7: {  	_ =	swait.ge [sflag:s13], $0x1E00  }
0xb8: {  	[sflag:s13] =	ssyncset.done $0x0  }
0xb9: {  	[sflag:s13] =	ssyncadd.s32 $0xFFFFE200  }
0xba: {  	_ =	sfence.sel $0x180000  }
0xbb: {  	[bflag:$0x0] =	sbarrier.arrive $0xFFFF  }
0xbc: {  	_ =	strace $0x9000004D  }
0xbd: {  	s0 =	stileid.u32;
	[bflag:$0x2] =	sbarrier.arrive $0xFFFF  }
0xbe: {  	p0 =	sne.s32 s0, $0x0;
	s0 =	rddreg [dreg:$0x2]  }
0xbf: {  	s0 =	sadd.s32 @!p0 $0x100000, s0  }
0xc0: {  	[sflag:s0] =	ssyncadd.tile.s32 @!p0 $0x1;
	_ =	shalt  }
.Lfunc_end2:
_tile_overlayer_lowered:
.L_overlay_start_2:
0xc1: {  	(tag) =	ssettag $0x2  }
0xc2: {  	s0 =	rddreg [dreg:$0x0];
	s2 =	stileid.u32  }
0xc3: {  	s1 =	rddreg [dreg:$0x1];
	p0 =	sne.s32 s2, $0x0  }
0xc4: {  	s3 =	rddreg [dreg:$0x2];
	[bflag:$0x3] =	sbarrier.arrive $0xFFFF;
	s2 =	simm.s32 @!p0 $0x1C03  }
0xc5: {  	[timem:s3], [sflag:s2] =	dma.local @!p0 [hbm:s0], s1  }
0xc6: {  	s0 =	simm.s32 @!p0 $0x3  }
0xc7: {  	_ =	swait.ge @!p0 [sflag:s0], s1  }
0xc8: {  	s1 =	ssub.s32 @!p0 $0x0, s1;
	[sflag:s0] =	ssyncset.done @!p0 $0x0  }
0xc9: {  	[sflag:s0] =	ssyncadd.s32 @!p0 s1  }
0xca: {  	[bflag:$0x3] =	sbarrier.arrive $0xFFFF  }
0xcb: {  	_ =	shalt  }

// kernel: kernel.8.cloned.1.call-start
scs
__scs_entry_jumppad:
0x0: {  	(pc) =	sbr.rel $0x88, $3  }
0x1: {  	(tag) =	ssettag $0x0;
	lr =	simm.s32 $0x1  }
0x2: {  	[smem:$0x3F91] =	sst lr;
	_ =	strace $0xD0000000  }
0x3: {  	_ = 	snop  }
0x4: {  	_ = 	snop  }
0x5: {  	_ = 	snop  }
0x6: {  	_ = 	snop  }
0x7: {  	_ = 	snop  }
__scs_overlays_trampoline_lowered:
0x8: {  	[smem:$0x3FA0] =	sst s0  }
0x9: {  	[smem:$0x3FA1] =	sst s1  }
0xa: {  	[smem:$0x3FA2] =	sst s2  }
0xb: {  	[smem:$0x3FA3] =	sst s3  }
0xc: {  	[smem:$0x3FA4] =	sst s4  }
0xd: {  	[smem:$0x3FA5] =	sst s5  }
0xe: {  	[smem:$0x3FA6] =	sst s6  }
0xf: {  	[smem:$0x3FA7] =	sst s7  }
0x10: {  	[smem:$0x3FA8] =	sst s8  }
0x11: {  	[smem:$0x3FA9] =	sst s9;
	s0 =	simm.s32 @!p0 $0x0  }
0x12: {  	s1 =	sld [smem:$0x3F8F];
	s0 =	simm.s32 @p0 $0x1  }
0x13: {  	[smem:$0x3FAA] =	sst s0;
	s0 =	simm.s32 @!p1 $0x0  }
0x14: {  	s2 =	sld [smem:$0x3F8E];
	s0 =	simm.s32 @p1 $0x1  }
0x15: {  	[smem:$0x3FAB] =	sst s0;
	s0 =	simm.s32 @!p2 $0x0  }
0x16: {  	s3 =	sld [smem:$0x3FDB];
	s0 =	simm.s32 @p2 $0x1  }
0x17: {  	s4 =	simm.s32 $0x1BF5;
	[smem:$0x3FAD] =	sst s0  }
0x18: {  	s0 =	sld [smem:$0x3F90];
	_ =	swait.ge [sflag:s4], $0x0  }
0x19: {  	s7 =	sld [smem:$0x3F91]  }
0x1a: {  	s8 =	sadd.s32 $0xFFFFE003, lr  }
0x1b: {  	s9 =	sadd.s32 $0xFFFFFEF7, lr;
	s5 =	simm.s32 $0xFFFFFFFF;
	p2 =	slt.u32 s8, $0xFFFFF086  }
0x1c: {  	p1 =	slt.u32 s9, $0xF7A;
	s5 =	simm.s32 @!p2 $0x0  }
0x1d: {  	s5 =	simm.s32 @p1 $0x1;
	p0 =	seq.s32 s7, s2  }
0x1e: {  	s7 =	smul.u32 @!p0 $0xF7A, s2;
	p2 =	seq.s32 @!p0 s5, $0x0  }
0x1f: {  	s9 =	smul.u32 $0xF7A, s1;
	s8 =	simm.s32 @!p0 $0x1BF5;
	p2 =	por !p2, p0  }
0x20: {  	[sflag:s8] =	ssyncset.s32 @!p0 $0xFFFFF086;
	s6 =	sadd.s32 @!p0 s3, s7;
	s7 =	simm.s32 @!p0 $0x108  }
0x21: {  	s3 =	sadd.s32 s3, s9;
	s6 =	sadd.s32 @!p0 $0x88, s6;
	s7 =	simm.s32 @p2 $0x1082  }
0x22: {  	[simem:s7], [sflag:s8] =	dma.local @!p0 [hbm:s6], $0xF7A  }
0x23: {  	s9 =	sor.u32 $0xD0000000, s2;
	s6 =	simm.s32 $0x108;
	_ =	swait.ge @!p0 [sflag:s8], $0x0  }
0x24: {  	s3 =	sadd.s32 $0x88, s3;
	s6 =	simm.s32 @!p1 $0x1082;
	[sflag:s4] =	ssyncset.s32 $0xFFFFF086  }
0x25: {  	[simem:s6], [sflag:s4] =	dma.local [hbm:s3], $0xF7A  }
0x26: {  	[smem:$0x3F91] =	sst s1;
	(tag) =	ssettag s2;
	_ =	strace s9  }
0x27: {  	s1 =	sld [smem:$0x3FA1]  }
0x28: {  	s2 =	sld [smem:$0x3FA2]  }
0x29: {  	s4 =	sld [smem:$0x3FA4]  }
0x2a: {  	p0 =	seq.s32 s5, $0x0;
	s5 =	sld [smem:$0x3FA5]  }
0x2b: {  	s6 =	sld [smem:$0x3FA6]  }
0x2c: {  	s7 =	sld [smem:$0x3FA7]  }
0x2d: {  	s3 =	simm.s32 $0x108;
	s8 =	sld [smem:$0x3FA8]  }
0x2e: {  	s3 =	simm.s32 @!p0 $0x1082;
	s9 =	sld [smem:$0x3FA9]  }
0x2f: {  	lr =	sadd.s32 s0, s3;
	s0 =	sld [smem:$0x3FA0]  }
0x30: {  	s3 =	sld [smem:$0x3FA3]  }
0x31: {  	[smem:$0x3FAC] =	sst s10  }
0x32: {  	s10 =	sld [smem:$0x3FAA];
	_ =	sdelay $0x3  }
0x33: {  	p0 =	seq.s32 s10, $0x1;
	s10 =	sld [smem:$0x3FAC];
	_ =	sdelay $0x3  }
0x34: {  	[smem:$0x3FAC] =	sst s10  }
0x35: {  	s10 =	sld [smem:$0x3FAB];
	_ =	sdelay $0x3  }
0x36: {  	p1 =	seq.s32 s10, $0x1;
	s10 =	sld [smem:$0x3FAC];
	_ =	sdelay $0x3  }
0x37: {  	[smem:$0x3FAC] =	sst s10  }
0x38: {  	s10 =	sld [smem:$0x3FAD]  }
0x39: {  	_ = 	snop;
	(pc) =	sbr.ind lr, $3  }
0x3a: {  	_ = 	snop  }
0x3b: {  	_ = 	snop  }
0x3c: {  	p2 =	seq.s32 s10, $0x1;
	s10 =	sld [smem:$0x3FAC]  }
0x3d: {  	_ =	shalt  }
0x3e: {  	_ =	shalt  }
0x3f: {  	_ =	shalt  }
0x40: {  	_ =	shalt  }
0x41: {  	_ =	shalt  }
0x42: {  	_ =	shalt  }
0x43: {  	_ =	shalt  }
0x44: {  	_ =	shalt  }
0x45: {  	_ =	shalt  }
0x46: {  	_ =	shalt  }
0x47: {  	_ =	shalt  }
0x48: {  	_ =	shalt  }
0x49: {  	_ =	shalt  }
0x4a: {  	_ =	shalt  }
0x4b: {  	_ =	shalt  }
0x4c: {  	_ =	shalt  }
0x4d: {  	_ =	shalt  }
0x4e: {  	_ =	shalt  }
0x4f: {  	_ =	shalt  }
0x50: {  	_ =	shalt  }
0x51: {  	_ =	shalt  }
0x52: {  	_ =	shalt  }
0x53: {  	_ =	shalt  }
0x54: {  	_ =	shalt  }
0x55: {  	_ =	shalt  }
0x56: {  	_ =	shalt  }
0x57: {  	_ =	shalt  }
0x58: {  	_ =	shalt  }
0x59: {  	_ =	shalt  }
0x5a: {  	_ =	shalt  }
0x5b: {  	_ =	shalt  }
0x5c: {  	_ =	shalt  }
0x5d: {  	_ =	shalt  }
0x5e: {  	_ =	shalt  }
0x5f: {  	_ =	shalt  }
0x60: {  	_ =	shalt  }
0x61: {  	_ =	shalt  }
0x62: {  	_ =	shalt  }
0x63: {  	_ =	shalt  }
0x64: {  	_ =	shalt  }
0x65: {  	_ =	shalt  }
0x66: {  	_ =	shalt  }
0x67: {  	_ =	shalt  }
0x68: {  	_ =	shalt  }
0x69: {  	_ =	shalt  }
0x6a: {  	_ =	shalt  }
0x6b: {  	_ =	shalt  }
0x6c: {  	_ =	shalt  }
0x6d: {  	_ =	shalt  }
0x6e: {  	_ =	shalt  }
0x6f: {  	_ =	shalt  }
0x70: {  	_ =	shalt  }
0x71: {  	_ =	shalt  }
0x72: {  	_ =	shalt  }
0x73: {  	_ =	shalt  }
0x74: {  	_ =	shalt  }
0x75: {  	_ =	shalt  }
0x76: {  	_ =	shalt  }
0x77: {  	_ =	shalt  }
0x78: {  	_ =	shalt  }
0x79: {  	_ =	shalt  }
0x7a: {  	_ =	shalt  }
0x7b: {  	_ =	shalt  }
0x7c: {  	_ =	shalt  }
0x7d: {  	_ =	shalt  }
0x7e: {  	_ =	shalt  }
0x7f: {  	_ =	shalt  }
0x80: {  	_ =	shalt  }
0x81: {  	_ =	shalt  }
0x82: {  	_ =	shalt  }
0x83: {  	_ =	shalt  }
0x84: {  	_ =	shalt  }
0x85: {  	_ =	shalt  }
0x86: {  	_ =	shalt  }
0x87: {  	_ =	shalt  }
.Lfunc_end0:
.L_simem_size_0:
called_computation_lowered:
.L_overlay_start_0:
0x88: {  	s2 =	sld [smem:$0x3FD9]  }
0x89: {  	s3 =	sld [smem:$0x3FFE];
	_ =	sdelay $0x1  }
0x8a: {  	s1 =	srdreg.scid  }
0x8b: {  	s0 =	sand.u32 $0x1, s1  }
0x8c: {  	s16 =	sshll.u32 s0, $0xA;
	s2 =	sadd.s32 s3, s2  }
0x8d: {  	s2 =	sadd.s32 s2, s16  }
0x8e: {  	[smem:$0x3FB8] =	sst s2  }
0x8f: {  	_ = 	snop  }
0x90: {  	(tm) =	ssettm $0x1  }
0x91: {  	s17 =	sld [smem:$0x3FFB];
	_ =	sdelay $0x3  }
0x92: {  	_ =	strace s17  }
0x93: {  	s2 =	sld [smem:$0x3FFC];
	_ =	sdelay $0x3  }
0x94: {  	_ =	strace s2  }
0x95: {  	s2 =	sld [smem:$0x3FFD];
	_ =	sdelay $0x3  }
0x96: {  	_ =	strace s2  }
0x97: {  	_ =	strace $0x8FFFFFFF  }
0x98: {  	s18 =	sld [smem:$0x3FDB];
	_ =	sdelay $0x1  }
0x99: {  	s19 =	simm.s32 $_scs_section_size  }
0x9a: {  	s4 =	simm.s32 $_size__tile_overlayer_lowered;
	s5 =	simm.s32 $_tile_overlayer_lowered  }
0x9b: {  	s22 =	simm.s32 $0x1BFF;
	s21 =	sshll.u32 s5, $0x1;
	s2 =	sadd.s32 s19, s18  }
0x9c: {  	s6 =	simm.s32 $0x0;
	s20 =	sshll.u32 s4, $0x1;
	s4 =	sadd.s32 s21, s2  }
0x9d: {  	[timem:s6], [sflag:s22] =	dma.local [hbm:s4], s20  }
0x9e: {  	_ =	swait.ge [sflag:s22], s20  }
0x9f: {  	s3 =	ssub.s32 $0x0, s20;
	[sflag:s22] =	ssyncset.done $0x0  }
0xa0: {  	[sflag:s22] =	ssyncadd.s32 s3;
	_ =	sdelay $0x1  }
0xa1: {  	s23 =	simm.s32 $0x1B8B  }
0xa2: {  	_ =	swait.ge [sflag:s23], $0x1  }
0xa3: {  	[sflag:s23] =	ssyncset.done $0x0  }
0xa4: {  	s25 =	simm.s32 $0x1B8E;
	s24 =	sld [smem:$0x3FFE];
	[sflag:s23] =	ssyncadd.s32 $0xFFFFFFFF  }
0xa5: {  	s26 =	simm.s32 $execute0_lowered;
	[smem:$0x3FD2] =	sst s25  }
0xa6: {  	s4 =	sshll.u32 s26, $0x1;
	_ =	strace $0x80000046;
	[dreg:$0x1] =	wrdreg $0xFFFFFFFF  }
0xa7: {  	s28 =	simm.s32 $_size_execute0_lowered;
	s2 =	sadd.s32 s2, s4;
	[dreg:$0x0] =	wrdreg $0x0  }
0xa8: {  	s4 =	sshll.u32 s28, $0x1;
	[dreg:$0x2] =	wrdreg s2  }
0xa9: {  	[dreg:$0x3] =	wrdreg s4  }
0xaa: {  	[dreg:$0x4] =	wrdreg $0xC0  }
0xab: {  	_ =	task [dreg:s6], $0x5FFFF  }
0xac: {  	[dreg:$0x1] =	wrdreg $0xFFFFFFFF  }
0xad: {  	[dreg:$0x0] =	wrdreg $0x60  }
0xae: {  	[dreg:$0x2] =	wrdreg s24  }
0xaf: {  	[dreg:$0x3] =	wrdreg $0x0  }
0xb0: {  	[dreg:$0x4] =	wrdreg $0x9  }
0xb1: {  	_ =	task.clear_ibuf [dreg:s6], $0x5FFFF;
	_ =	strace $0x90000046  }
0xb2: {  	s29 =	simm.s32 $0x9;
	_ =	strace $0x80000048  }
0xb3: {  	_ =	swait.ge [sflag:s29], $0x1  }
0xb4: {  	[sflag:s29] =	ssyncadd.s32 $0xFFFFFFFF  }
0xb5: {  	_ =	strace $0x90000048  }
0xb6: {  	_ =	sfence  }
0xb7: {  	s30 =	sld [smem:$0x0];
	_ =	sdelay $0x2  }
0xb8: {  	s31 =	sshll.u32 s1, $0xD;
	s1 =	sshrl.u32 s1, $0x2  }
0xb9: {  	s3 =	sand.u32 $0x4000, s31;
	s1 =	sadd.s32 s1, s30  }
0xba: {  	s0 =	sor.u32 s3, s0;
	s1 =	sshll.u32 s1, $0x11  }
0xbb: {  	s0 =	sor.u32 s1, s0  }
0xbc: {  	s0 =	sadd.s32 $0x8F2B, s0  }
0xbd: {  	[sflag:s0] =	ssyncadd.remote.s32 $0x1  }
0xbe: {  	_ =	sfence.sel $0xFFFF  }
0xbf: {  	[dreg:$0x0] =	wrdreg $0xFFFFFFFF;
	(pc) =	sbr.abs _section_cstart, $3  }
0xc0: {  	[dreg:$0x1] =	wrdreg $0xFFFFFFFF  }
0xc1: {  	_ =	task.clear_ibuf [dreg:s6], $0x2FFFF;
	_ =	strace $0x9FFFFFFF  }
0xc2: {  	(tm) =	ssettm $0x7FFFFFFF  }
0xc3: {  	_ =	shalt  }
tec
execute0_lowered:
.L_overlay_start_1:
0x0: {  	(tag) =	ssettag $0x1  }
0x1: {  	s6 =	rddreg [dreg:$0x0]  }
0x2: {  	s2 =	rddreg [dreg:$0x1]  }
0x3: {  	s0 =	rddreg [dreg:$0x2]  }
0x4: {  	s4 =	srdreg.scid;
	s1 =	stileid.u32  }
0x5: {  	s3 =	simm.s32 $0x0;
	s14 =	simm.s32 $0xA000;
	s15 =	simm.s32 $0x80  }
0x6: {  	s16 =	simm.s32 $0x13E00;
	s17 =	simm.s32 $0x15E00;
	s18 =	simm.s32 $0x1  }
0x7: {  	s19 =	simm.s32 $0x2;
	s20 =	simm.s32 $0xEE80;
	s21 =	simm.s32 $0x13D00  }
0x8: {  	s22 =	simm.s32 $0x13D80;
	s23 =	simm.s32 $0x10;
	s7 =	smul.u32 $0x4F00, s1  }
0x9: {  	s24 =	simm.s32 $0x8;
	s25 =	simm.s32 $0x0;
	s9 =	smul.u32 $0x14000, s1  }
0xa: {  	s5 =	sand.u32 $0x1, s4;
	[smem:$0x7FF] =	sst s3;
	s11 =	smul.u32 $0x28000, s1  }
0xb: {  	s4 =	sadd.s32 $0x20400, s6;
	s12 =	sshll.u32 s1, $0x6;
	s8 =	smul.u32 $0x4F000, s5  }
0xc: {  	_ =	strace $0x80000047;
	s10 =	sshll.u32 s5, $0x6;
	s29 =	ssub.s32 $0x2, s5  }
0xd: {  	s5 =	sadd.s32 $0x48400, s6;
	s12 =	sor.u32 $0x1C03, s12;
	s9 =	sor.u32 s10, s9  }
0xe: {  	s30 =	sshrl.u32 s29, $0x1;
	s31 =	sshrl.u32 s11, $0x2;
	s11 =	simm.s32 $0x3  }
0xf: {  	s8 =	sadd.s32 s7, s8;
	s7 =	sshrl.u32 s7, $0x3;
	s9 =	sshrl.u32 s9, $0x3  }
0x10: {  	s10 =	ssub.s32 s29, s30;
	s13 =	sadd.s32 s31, s2;
	s8 =	sshrl.u32 s8, $0x3  }
0x11: {  	s7 =	sadd.s32 s7, s6;
	s9 =	sadd.s32 s9, s6;
	s8 =	sadd.s32 s8, s6  }
0x12: {  	s13 =	sshrl.u32 s13, $0x3;
	s6 =	sadd.s32 $0x16600, s7;
	s7 =	sadd.s32 $0x2A00, s8  }
0x13: {  	s8 =	sadd.s32 $0x49800, s9;
	s9 =	smax.u32 s10, $0x1;
	s10 =	simm.s32 $0xEF00  }
.LBB2_1:
0x14: {  	[tilespmem:s10], [sflag:$0x3] =	stream.linear.gather [hbm4b:s6+s3], $0x4F00, $0x38;
	[tilespmem:$0x17E00] =	vst v63  }
0x15: {  	_ =	swait.ge [sflag:s11], $0x4F00  }
0x16: {  	[sflag:s11] =	ssyncset.done $0x0  }
0x17: {  	[sflag:s11] =	ssyncadd.s32 $0xFFFFB100  }
0x18: {  	[spmem:s13], [sflag:s12] =	dma.local [hbm:s5], $0x1400  }
0x19: {  	_ =	swait.ge [sflag:s11], $0x1400  }
0x1a: {  	[sflag:s11] =	ssyncset.done $0x0  }
0x1b: {  	[sflag:s11] =	ssyncadd.s32 $0xFFFFEC00  }
0x1c: {  	[tilespmem:s14], [sflag:$0x3] =	stream.linear.gather [hbm4b:s7+s3], $0x4F00, $0x38;
	[tilespmem:$0x17E00] =	vst v63  }
0x1d: {  	_ =	swait.ge [sflag:s11], $0x4F00  }
0x1e: {  	[sflag:s11] =	ssyncset.done $0x0  }
0x1f: {  	[sflag:s11] =	ssyncadd.s32 $0xFFFFB100  }
0x20: {  	[bflag:$0x0] =	sbarrier.arrive $0xFFFF  }
0x21: {  	[tilespmem:s16], [sflag:$0x1] =	stream.indirect.gather [hbm4b:s4+s15], $0x40, s14, s15, $0xb8;
	[tilespmem:$0x17E00] =	vst v63  }
0x22: {  	s26 =	simm.s32 $0xA080  }
0x23: {  	[tilespmem:s17], [sflag:$0x2] =	stream.indirect.gather [hbm4b:s4+s15], $0x40, s26, s15, $0xb8;
	[tilespmem:$0x17E00] =	vst v63  }
0x24: {  	_ =	swait.ge [sflag:s18], $0x2000  }
0x25: {  	[sflag:s18] =	ssyncset.done $0x0  }
0x26: {  	s29 =	simm.s32 $0xEF00;
	[sflag:s18] =	ssyncadd.s32 $0xFFFFE000  }
0x27: {  	[spmem:s2] =	stream.indirect.scatter.add.f32 [tilespmem:s16], [sflag:$0x3], $0x40, s29, s15, $0xb8;
	[tilespmem:$0x17E00] =	vst v63  }
0x28: {  	_ =	swait.ge [sflag:s11], $0x2000  }
0x29: {  	[sflag:s11] =	ssyncset.done $0x0  }
0x2a: {  	s30 =	simm.s32 $0xA100;
	[sflag:s11] =	ssyncadd.s32 $0xFFFFE000  }
0x2b: {  	[tilespmem:s16], [sflag:$0x1] =	stream.indirect.gather [hbm4b:s4+s15], $0x40, s30, s15, $0xb8;
	[tilespmem:$0x17E00] =	vst v63  }
0x2c: {  	_ =	swait.ge [sflag:s19], $0x2000  }
0x2d: {  	[sflag:s19] =	ssyncset.done $0x0  }
0x2e: {  	s31 =	simm.s32 $0xEF80;
	[sflag:s19] =	ssyncadd.s32 $0xFFFFE000  }
0x2f: {  	[spmem:s2] =	stream.indirect.scatter.add.f32 [tilespmem:s17], [sflag:$0x3], $0x40, s31, s15, $0xb8;
	[tilespmem:$0x17E00] =	vst v63  }
0x30: {  	_ =	swait.ge [sflag:s11], $0x2000  }
0x31: {  	s28 =	simm.s32 $0x800;
	s26 =	simm.s32 $0x100;
	[sflag:s11] =	ssyncset.done $0x0  }
.LBB2_2:
0x32: {  	s29 =	sadd.s32 $0xA080, s26  }
0x33: {  	[sflag:s11] =	ssyncadd.s32 $0xFFFFE000;
	s30 =	smov.u32 s28;
	s31 =	sadd.s32 $0x400, s28  }
0x34: {  	[tilespmem:s17], [sflag:$0x2] =	stream.indirect.gather [hbm4b:s4+s15], $0x40, s29, s15, $0xb8;
	[tilespmem:$0x17E00] =	vst v63  }
0x35: {  	p0 =	sne.s32 s28, $0x13400;
	_ =	swait.ge [sflag:s18], $0x2000  }
0x36: {  	[sflag:s18] =	ssyncset.done $0x0  }
0x37: {  	s28 =	sadd.s32 $0xEF00, s26;
	[sflag:s18] =	ssyncadd.s32 $0xFFFFE000  }
0x38: {  	[spmem:s2] =	stream.indirect.scatter.add.f32 [tilespmem:s16], [sflag:$0x3], $0x40, s28, s15, $0xb8;
	[tilespmem:$0x17E00] =	vst v63  }
0x39: {  	_ =	swait.ge [sflag:s11], $0x2000  }
0x3a: {  	[sflag:s11] =	ssyncset.done $0x0  }
0x3b: {  	s28 =	sadd.s32 $0xA100, s26;
	[sflag:s11] =	ssyncadd.s32 $0xFFFFE000  }
0x3c: {  	[tilespmem:s16], [sflag:$0x1] =	stream.indirect.gather [hbm4b:s4+s15], $0x40, s28, s15, $0xb8;
	[tilespmem:$0x17E00] =	vst v63  }
0x3d: {  	_ =	swait.ge [sflag:s19], $0x2000  }
.Ltmp0:
0x3e: {  	[sflag:s19] =	ssyncset.done $0x0;
	(pc) =	sbr.rel @p0 .LBB2_2-.Ltmp0, $4  }
0x3f: {  	s26 =	sadd.s32 $0xEF80, s26;
	[sflag:s19] =	ssyncadd.s32 $0xFFFFE000  }
0x40: {  	[spmem:s2] =	stream.indirect.scatter.add.f32 [tilespmem:s17], [sflag:$0x3], $0x40, s26, s15, $0xb8;
	[tilespmem:$0x17E00] =	vst v63  }
0x41: {  	_ =	swait.ge [sflag:s11], $0x2000  }
0x42: {  	s28 =	smov.u32 s31;
	s26 =	sshra.s32 s30, $0x2;
	[sflag:s11] =	ssyncset.done $0x0  }
0x43: {  	s28 =	sadd.s32 $0xA080, s26;
	[sflag:s11] =	ssyncadd.s32 $0xFFFFE000  }
0x44: {  	[tilespmem:s17], [sflag:$0x2] =	stream.indirect.gather [hbm4b:s4+s15], $0x40, s28, s15, $0xb8;
	[tilespmem:$0x17E00] =	vst v63  }
0x45: {  	_ =	swait.ge [sflag:s18], $0x2000  }
0x46: {  	[sflag:s18] =	ssyncset.done $0x0  }
0x47: {  	s29 =	sadd.s32 $0xEF00, s26;
	[sflag:s18] =	ssyncadd.s32 $0xFFFFE000  }
0x48: {  	[spmem:s2] =	stream.indirect.scatter.add.f32 [tilespmem:s16], [sflag:$0x3], $0x40, s29, s15, $0xb8;
	[tilespmem:$0x17E00] =	vst v63  }
0x49: {  	_ =	swait.ge [sflag:s11], $0x2000  }
0x4a: {  	[sflag:s11] =	ssyncset.done $0x0  }
0x4b: {  	s30 =	sadd.s32 $0xA100, s26;
	[sflag:s11] =	ssyncadd.s32 $0xFFFFE000  }
0x4c: {  	[tilespmem:s16], [sflag:$0x1] =	stream.indirect.gather [hbm4b:s4+s15], $0x40, s30, s15, $0xb8;
	[tilespmem:$0x17E00] =	vst v63  }
0x4d: {  	_ =	swait.ge [sflag:s19], $0x2000  }
0x4e: {  	[sflag:s19] =	ssyncset.done $0x0  }
0x4f: {  	s31 =	sadd.s32 $0xEF80, s26;
	[sflag:s19] =	ssyncadd.s32 $0xFFFFE000  }
0x50: {  	[spmem:s2] =	stream.indirect.scatter.add.f32 [tilespmem:s17], [sflag:$0x3], $0x40, s31, s15, $0xb8;
	[tilespmem:$0x17E00] =	vst v63  }
0x51: {  	_ =	swait.ge [sflag:s11], $0x2000  }
0x52: {  	[sflag:s11] =	ssyncset.done $0x0  }
0x53: {  	[sflag:s11] =	ssyncadd.s32 $0xFFFFE000  }
0x54: {  	[tilespmem:s17], [sflag:$0x2] =	stream.indirect.gather [hbm4b:s4+s15], $0x40, s20, s15, $0xb8;
	[tilespmem:$0x17E00] =	vst v63  }
0x55: {  	_ =	swait.ge [sflag:s18], $0x2000  }
0x56: {  	[sflag:s18] =	ssyncset.done $0x0  }
0x57: {  	[sflag:s18] =	ssyncadd.s32 $0xFFFFE000  }
0x58: {  	[spmem:s2] =	stream.indirect.scatter.add.f32 [tilespmem:s16], [sflag:$0x3], $0x40, s21, s15, $0xb8;
	[tilespmem:$0x17E00] =	vst v63  }
0x59: {  	_ =	swait.ge [sflag:s11], $0x2000  }
0x5a: {  	[sflag:s11] =	ssyncset.done $0x0  }
0x5b: {  	[sflag:s11] =	ssyncadd.s32 $0xFFFFE000  }
0x5c: {  	_ =	swait.ge [sflag:s19], $0x2000  }
0x5d: {  	[sflag:s19] =	ssyncset.done $0x0  }
0x5e: {  	[sflag:s19] =	ssyncadd.s32 $0xFFFFE000  }
0x5f: {  	[spmem:s2] =	stream.indirect.scatter.add.f32 [tilespmem:s17], [sflag:$0x3], $0x40, s22, s15, $0xb8;
	[tilespmem:$0x17E00] =	vst v63  }
0x60: {  	_ =	swait.ge [sflag:s11], $0x2000  }
0x61: {  	s25 =	sadd.s32 $0x1, s25;
	[sflag:s11] =	ssyncset.done $0x0  }
0x62: {  	p0 =	sne.s32 s25, s9;
	[sflag:s11] =	ssyncadd.s32 $0xFFFFE000  }
.Ltmp1:
0x63: {  	[bflag:$0x0] =	sbarrier.arrive $0xFFFF;
	(pc) =	sbr.rel @p0 .LBB2_1-.Ltmp1, $4  }
0x64: {  	[hbm:s8@s23], [sflag:s12] =	dma.strided [spmem:s13@s24], $0x1400, s18, $0x8   }
0x65: {  	_ =	swait.ge [sflag:s11], $0x1400  }
0x66: {  	[sflag:s11] =	ssyncset.done $0x0  }
0x67: {  	[sflag:s11] =	ssyncadd.s32 $0xFFFFEC00  }
0x68: {  	_ =	sfence.sel $0x180000  }
0x69: {  	[bflag:$0x0] =	sbarrier.arrive $0xFFFF  }
0x6a: {  	p0 =	sne.s32 s1, $0x0;
	_ =	strace $0x90000047  }
0x6b: {  	s0 =	sadd.s32 @!p0 $0x100000, s0;
	[bflag:$0x2] =	sbarrier.arrive $0xFFFF  }
0x6c: {  	[sflag:s0] =	ssyncadd.tile.s32 @!p0 $0x1;
	_ =	shalt  }
.Lfunc_end2:
_tile_overlayer_lowered:
.L_overlay_start_2:
0x6d: {  	(tag) =	ssettag $0x2  }
0x6e: {  	s0 =	rddreg [dreg:$0x0];
	s2 =	stileid.u32  }
0x6f: {  	s1 =	rddreg [dreg:$0x1];
	p0 =	sne.s32 s2, $0x0  }
0x70: {  	s3 =	rddreg [dreg:$0x2];
	[bflag:$0x3] =	sbarrier.arrive $0xFFFF;
	s2 =	simm.s32 @!p0 $0x1C03  }
0x71: {  	[timem:s3], [sflag:s2] =	dma.local @!p0 [hbm:s0], s1  }
0x72: {  	s0 =	simm.s32 @!p0 $0x3  }
0x73: {  	_ =	swait.ge @!p0 [sflag:s0], s1  }
0x74: {  	s1 =	ssub.s32 @!p0 $0x0, s1;
	[sflag:s0] =	ssyncset.done @!p0 $0x0  }
0x75: {  	[sflag:s0] =	ssyncadd.s32 @!p0 s1  }
0x76: {  	[bflag:$0x3] =	sbarrier.arrive $0xFFFF  }
0x77: {  	_ =	shalt  }

</sc_bundles>
